<compile_context>
chip_gen: v7x
topology: tpu7x:2x2x1
jax: 0.10.2.dev20260603
libtpu: 0.0.44.dev20260713+nightly
codegen_flags: <defaults>
</compile_context>

<pallas_src>
import functools

import jax
import jax.numpy as jnp
from jax import lax
from jax.experimental import pallas as pl
from jax.experimental.pallas import tpu as pltpu
from jax.experimental.pallas import tpu_sc as plsc

N = 10000
E = 320000
D = 128



def _tables_body(x_ref, ws_ref, wd_ref, bs_ref, t1_ref, t2_ref):
    x = x_ref[...]
    t1_ref[...] = jnp.dot(x, ws_ref[...], preferred_element_type=jnp.float32) + bs_ref[...]
    t2_ref[...] = jnp.dot(x, wd_ref[...], preferred_element_type=jnp.float32)


def _make_tables(x, ws, wd, bs):
    return pl.pallas_call(
        _tables_body,
        out_shape=(
            jax.ShapeDtypeStruct((N, 2 * 64), jnp.float32),
            jax.ShapeDtypeStruct((N, 2 * 64), jnp.float32),
        ),
    )(x, ws, wd, bs)



_NC = 2
_NS = 16
_NW = _NC * _NS
_EW = E // _NW
_CH = 80
_NCHUNK = _EW // _CH


def _sc_body(t1_hbm, t2_hbm, src_hbm, dst_hbm, out_hbm,
             idxs, idxd, g1a, g1b, g2a, g2b, za, zb,
             sg1a, sg1b, sg2a, sg2b, ssa, ssb):
    wid = lax.axis_index("s") * _NC + lax.axis_index("c")
    base = wid * _EW
    g1 = (g1a, g1b)
    g2 = (g2a, g2b)
    zbuf = (za, zb)
    sg1 = (sg1a, sg1b)
    sg2 = (sg2a, sg2b)
    ss = (ssa, ssb)

    def islice(ref, c):
        return ref.at[pl.ds(c * _CH, _CH)]

    def issue_gather(c, b):
        pltpu.async_copy(t1_hbm.at[islice(idxs, c)], g1[b], sg1[b])
        pltpu.async_copy(t2_hbm.at[islice(idxd, c)], g2[b], sg2[b])

    def wait_gather(c, b):
        pltpu.make_async_copy(t1_hbm.at[islice(idxs, c)], g1[b], sg1[b]).wait()
        pltpu.make_async_copy(t2_hbm.at[islice(idxd, c)], g2[b], sg2[b]).wait()

    def out_slice(c):
        return out_hbm.at[pl.ds(base + c * _CH, _CH)]

    def wait_store(c, b):
        pltpu.make_async_copy(zbuf[b], out_slice(c), ss[b]).wait()

    def compute(b):
        gb1, gb2, zb_ = g1[b], g2[b], zbuf[b]

        def row(r, rc):
            for j in range(4):
                u = gb1[r, pl.ds(j * 16, 16)] + gb2[r, pl.ds(j * 16, 16)]
                v = gb1[r, pl.ds(64 + j * 16, 16)] + gb2[r, pl.ds(64 + j * 16, 16)]
                z = jnp.maximum(jnp.maximum(u, 0.0) + v, 0.0)
                zb_[r, pl.ds(j * 16, 16)] = z
            return rc

        lax.fori_loop(0, _CH, row, 0)

    def chunk_step(c, b, issue2, wait1, wait_st):
        nb = 1 - b
        if wait_st:
            wait_store(c, b)
        compute(b)
        if issue2:
            issue_gather(c + 2, b)
        pltpu.async_copy(zbuf[b], out_slice(c), ss[b])
        if wait1:
            wait_gather(c + 1, nb)

    pltpu.sync_copy(src_hbm.at[pl.ds(base, _EW)], idxs)
    pltpu.sync_copy(dst_hbm.at[pl.ds(base, _EW)], idxd)
    issue_gather(0, 0)
    wait_gather(0, 0)
    issue_gather(1, 1)
    chunk_step(0, 0, True, True, False)
    chunk_step(1, 1, True, True, False)

    def pair(i, carry):
        chunk_step(2 * i, 0, True, True, True)
        chunk_step(2 * i + 1, 1, True, True, True)
        return carry

    lax.fori_loop(1, (_NCHUNK - 3) // 2, pair, 0)
    chunk_step(_NCHUNK - 3, 0, True, True, True)
    chunk_step(_NCHUNK - 2, 1, False, True, True)
    chunk_step(_NCHUNK - 1, 0, False, False, True)
    wait_store(_NCHUNK - 2, 1)
    wait_store(_NCHUNK - 1, 0)


def _edge_block1(t1, t2, src, dst):
    mesh = plsc.VectorSubcoreMesh(core_axis_name="c", subcore_axis_name="s")
    k = functools.partial(
        pl.kernel,
        mesh=mesh,
        out_type=jax.ShapeDtypeStruct((E, 64), jnp.float32),
        scratch_types=[
            pltpu.VMEM((_EW,), jnp.int32),
            pltpu.VMEM((_EW,), jnp.int32),
            pltpu.VMEM((_CH, 128), jnp.float32),
            pltpu.VMEM((_CH, 128), jnp.float32),
            pltpu.VMEM((_CH, 128), jnp.float32),
            pltpu.VMEM((_CH, 128), jnp.float32),
            pltpu.VMEM((_CH, 64), jnp.float32),
            pltpu.VMEM((_CH, 64), jnp.float32),
            pltpu.SemaphoreType.DMA,
            pltpu.SemaphoreType.DMA,
            pltpu.SemaphoreType.DMA,
            pltpu.SemaphoreType.DMA,
            pltpu.SemaphoreType.DMA,
            pltpu.SemaphoreType.DMA,
        ],
    )(_sc_body)
    return k(t1, t2, src, dst)



_BE = 4096


def _tail_body(z_ref, w23_ref, b2_ref, w34_ref, b3_ref, wf_ref, bf_ref, o_ref):
    z1 = z_ref[...]
    h = jnp.dot(z1, w23_ref[...], preferred_element_type=jnp.float32)
    h2 = jnp.maximum(h[:, :32] + b2_ref[...], 0.0)
    z2 = jnp.maximum(h2 + h[:, 32:], 0.0)
    g = jnp.dot(z2, w34_ref[...], preferred_element_type=jnp.float32)
    h3 = jnp.maximum(g[:, :16] + b3_ref[...], 0.0)
    z3 = jnp.maximum(h3 + g[:, 16:], 0.0)
    s = jnp.dot(z3, wf_ref[...], preferred_element_type=jnp.float32) + bf_ref[...]
    o_ref[...] = jax.nn.sigmoid(s)[:, 0]


def _mlp_tail(z1, w23, b2, w34, b3, wf, bf):
    full = lambda shape: pl.BlockSpec(shape, lambda i: (0,) * len(shape))
    return pl.pallas_call(
        _tail_body,
        grid=(pl.cdiv(E, _BE),),
        in_specs=[
            pl.BlockSpec((_BE, 64), lambda i: (i, 0)),
            full((64, 64)), full((1, 32)),
            full((32, 32)), full((1, 16)),
            full((16, 1)), full((1, 1)),
        ],
        out_specs=pl.BlockSpec((_BE,), lambda i: (i,)),
        out_shape=jax.ShapeDtypeStruct((E,), jnp.float32),
    )(z1, w23, b2, w34, b3, wf, bf)




def kernel(x, edge_index, edge_index_pred, Wg1, bg1, Wg2, bg2,
           W1, b1, Wa1, W2, b2, Wa2, W3, b3, Wa3, Wf, bf):
    ws = jnp.concatenate([W1[:D], Wa1[:D]], axis=1)
    wd = jnp.concatenate([W1[D:], Wa1[D:]], axis=1)
    bs = jnp.concatenate([b1, jnp.zeros_like(b1)]).reshape(1, 2 * 64)

    t1, t2 = _make_tables(x, ws, wd, bs)

    src = edge_index_pred[0].astype(jnp.int32)
    dst = edge_index_pred[1].astype(jnp.int32)
    z1 = _edge_block1(t1, t2, src, dst)

    w23 = jnp.concatenate([W2, Wa2], axis=1)
    w34 = jnp.concatenate([W3, Wa3], axis=1)
    out = _mlp_tail(
        z1,
        w23, b2.reshape(1, 32),
        w34, b3.reshape(1, 16),
        Wf, bf.reshape(1, 1),
    )
    return out.reshape(E, 1)

# --- scband reference (transcript-rebuilt; emitter-appended) ---
"""Pipeline reference for scband-link-predictor-65000035058080 (READ-ONLY COPY).

The authoritative reference and input builder live on the scoring server;
editing this copy changes nothing except your own understanding.
"""

import jax, jax.numpy as jnp
import numpy as np

N = 10000
E = 320000
D = 128
L0, L1, L2, L3 = 256, 64, 32, 16


def _glorot(k, shape):
    fan_in = shape[0]
    return jax.random.normal(k, shape, dtype=jnp.float32) / np.sqrt(fan_in)


def setup_inputs(seed: int = 0) -> dict:
    key = jax.random.key(seed)
    ks = jax.random.split(key, 16)
    inp = {}
    inp["x"] = jax.random.normal(ks[0], (N, D), dtype=jnp.float32)
    inp["edge_index"] = jax.random.randint(ks[1], (2, E), 0, N)
    inp["edge_index_pred"] = jax.random.randint(ks[2], (2, E), 0, N)
    # GCNConv weights (conv1: D->L0, conv2: L0->L0)
    inp["Wg1"] = _glorot(ks[3], (D, L0)); inp["bg1"] = jnp.zeros((L0,), jnp.float32)
    inp["Wg2"] = _glorot(ks[4], (L0, L0)); inp["bg2"] = jnp.zeros((L0,), jnp.float32)
    # ResidualBlocks: 256->64->32->16 (each has linear + bias-free adjust since in!=out)
    inp["W1"] = _glorot(ks[5], (2 * D, L1)); inp["b1"] = jnp.zeros((L1,), jnp.float32)
    inp["Wa1"] = _glorot(ks[6], (2 * D, L1))
    inp["W2"] = _glorot(ks[7], (L1, L2)); inp["b2"] = jnp.zeros((L2,), jnp.float32)
    inp["Wa2"] = _glorot(ks[8], (L1, L2))
    inp["W3"] = _glorot(ks[9], (L2, L3)); inp["b3"] = jnp.zeros((L3,), jnp.float32)
    inp["Wa3"] = _glorot(ks[10], (L2, L3))
    inp["Wf"] = _glorot(ks[11], (L3, 1)); inp["bf"] = jnp.zeros((1,), jnp.float32)
    return inp


def _gcn_conv(x, ei, W, b):
    # PyG GCNConv: add self-loops, symmetric normalization, aggregate at dst
    n = x.shape[0]
    loop = jnp.arange(n, dtype=ei.dtype)
    src = jnp.concatenate([ei[0], loop])
    dst = jnp.concatenate([ei[1], loop])
    h = x @ W
    deg = jax.ops.segment_sum(jnp.ones(dst.shape[0], x.dtype), dst, num_segments=n)
    dinv = jnp.where(deg > 0, jax.lax.rsqrt(deg), 0.0)
    norm = dinv[src] * dinv[dst]
    out = jax.ops.segment_sum(h[src] * norm[:, None], dst, num_segments=n)
    return out + b


def _res_block(x, W, b, Wa):
    out = jax.nn.relu(x @ W + b)
    res = x @ Wa
    return jax.nn.relu(out + res)


def reference(x, edge_index, edge_index_pred, Wg1, bg1, Wg2, bg2, W1, b1, Wa1, W2, b2, Wa2, W3, b3, Wa3, Wf, bf):
    # GNN branch is computed but its output is discarded (original code does x = data.x after)
    h = jax.nn.relu(_gcn_conv(x, edge_index, Wg1, bg1))
    h = _gcn_conv(h, edge_index, Wg2, bg2)
    _ = h
    # link-prediction path: gather endpoint features of candidate edges
    src_idx = edge_index_pred[0]
    dst_idx = edge_index_pred[1]
    x_i = jnp.take(x, src_idx, axis=0)
    x_j = jnp.take(x, dst_idx, axis=0)
    z = jnp.concatenate([x_i, x_j], axis=-1)
    z = _res_block(z, W1, b1, Wa1)
    z = _res_block(z, W2, b2, Wa2)
    z = _res_block(z, W3, b3, Wa3)
    z = z @ Wf + bf
    return jax.nn.sigmoid(z)

if __name__ == "__main__":
    import jax
    _d = setup_inputs()
    print(jax.jit(kernel)(*tuple(_d.values())))

</pallas_src>

<mosaic_0001>
#map = affine_map<(d0, d1) -> (0, 0)>
#map1 = affine_map<(d0, d1) -> (0)>
module attributes {stable_mosaic.version = 14 : i64} {
  func.func @_sc_body(%arg0: i32, %arg1: i32, %arg2: memref<10000x128xf32, #tpu.memory_space<hbm>>, %arg3: memref<10000x128xf32, #tpu.memory_space<hbm>>, %arg4: memref<320000xi32, #tpu.memory_space<hbm>>, %arg5: memref<320000xi32, #tpu.memory_space<hbm>>, %arg6: memref<320000x64xf32, #tpu.memory_space<hbm>>, %arg7: memref<10000xi32, #tpu.memory_space<vmem>>, %arg8: memref<10000xi32, #tpu.memory_space<vmem>>, %arg9: memref<80x128xf32, #tpu.memory_space<vmem>>, %arg10: memref<80x128xf32, #tpu.memory_space<vmem>>, %arg11: memref<80x128xf32, #tpu.memory_space<vmem>>, %arg12: memref<80x128xf32, #tpu.memory_space<vmem>>, %arg13: memref<80x64xf32, #tpu.memory_space<vmem>>, %arg14: memref<80x64xf32, #tpu.memory_space<vmem>>, %arg15: memref<!tpu.dma_semaphore, #tpu.memory_space<semaphore_mem>>, %arg16: memref<!tpu.dma_semaphore, #tpu.memory_space<semaphore_mem>>, %arg17: memref<!tpu.dma_semaphore, #tpu.memory_space<semaphore_mem>>, %arg18: memref<!tpu.dma_semaphore, #tpu.memory_space<semaphore_mem>>, %arg19: memref<!tpu.dma_semaphore, #tpu.memory_space<semaphore_mem>>, %arg20: memref<!tpu.dma_semaphore, #tpu.memory_space<semaphore_mem>>) attributes {dimension_semantics = [#tpu.dimension_semantics<core_parallel>, #tpu.dimension_semantics<subcore_parallel>], iteration_bounds = array<i64: 2, 16>, scalar_prefetch = 0 : i64, scratch_operands = 14 : i64, tpu.core_type = #tpu.core_type<sc_vector_subcore>, window_params = [{transform_indices = #map}, {transform_indices = #map}, {transform_indices = #map1}, {transform_indices = #map1}, {transform_indices = #map}]} {
    %mul3A = arith.constant 2 : i32
    %mul3A_0 = arith.muli %arg1, %mul3A : i32
    %add3A = arith.addi %mul3A_0, %arg0 : i32
    %mul3A_1 = arith.constant 10000 : i32
    %mul3A_2 = arith.muli %add3A, %mul3A_1 : i32
    "tpu.region"() ({
      %run_scoped3A = tpu.sem_alloc : memref<!tpu.dma_semaphore, #tpu.memory_space<semaphore_mem>>
      %dma_start3A_196 = tpu.memref_slice %arg4[%mul3A_2] : memref<320000xi32, #tpu.memory_space<hbm>> -> memref<10000xi32, #tpu.memory_space<hbm>>
      %dma_start3A_197 = tpu.memref_slice %arg4[%mul3A_2] : memref<320000xi32, #tpu.memory_space<hbm>> -> memref<10000xi32, #tpu.memory_space<hbm>>
      tpu.enqueue_dma source(%dma_start3A_197 : memref<10000xi32, #tpu.memory_space<hbm>>) target(%arg7 : memref<10000xi32, #tpu.memory_space<vmem>>) target_semaphore(%run_scoped3A : memref<!tpu.dma_semaphore, #tpu.memory_space<semaphore_mem>>)
      %dma_wait3A_198 = tpu.memref_slice %arg4[%mul3A_2] : memref<320000xi32, #tpu.memory_space<hbm>> -> memref<10000xi32, #tpu.memory_space<hbm>>
      %dma_wait3A_199 = tpu.memref_slice %arg4[%mul3A_2] : memref<320000xi32, #tpu.memory_space<hbm>> -> memref<10000xi32, #tpu.memory_space<hbm>>
      tpu.wait_dma2 semaphore(%run_scoped3A : memref<!tpu.dma_semaphore, #tpu.memory_space<semaphore_mem>>) src(%dma_wait3A_199 : memref<10000xi32, #tpu.memory_space<hbm>>) dst(%arg7 : memref<10000xi32, #tpu.memory_space<vmem>>)
      tpu.yield
    }) : () -> ()
    "tpu.region"() ({
      %run_scoped3A = tpu.sem_alloc : memref<!tpu.dma_semaphore, #tpu.memory_space<semaphore_mem>>
      %dma_start3A_196 = tpu.memref_slice %arg5[%mul3A_2] : memref<320000xi32, #tpu.memory_space<hbm>> -> memref<10000xi32, #tpu.memory_space<hbm>>
      %dma_start3A_197 = tpu.memref_slice %arg5[%mul3A_2] : memref<320000xi32, #tpu.memory_space<hbm>> -> memref<10000xi32, #tpu.memory_space<hbm>>
      tpu.enqueue_dma source(%dma_start3A_197 : memref<10000xi32, #tpu.memory_space<hbm>>) target(%arg8 : memref<10000xi32, #tpu.memory_space<vmem>>) target_semaphore(%run_scoped3A : memref<!tpu.dma_semaphore, #tpu.memory_space<semaphore_mem>>)
      %dma_wait3A_198 = tpu.memref_slice %arg5[%mul3A_2] : memref<320000xi32, #tpu.memory_space<hbm>> -> memref<10000xi32, #tpu.memory_space<hbm>>
      %dma_wait3A_199 = tpu.memref_slice %arg5[%mul3A_2] : memref<320000xi32, #tpu.memory_space<hbm>> -> memref<10000xi32, #tpu.memory_space<hbm>>
      tpu.wait_dma2 semaphore(%run_scoped3A : memref<!tpu.dma_semaphore, #tpu.memory_space<semaphore_mem>>) src(%dma_wait3A_199 : memref<10000xi32, #tpu.memory_space<hbm>>) dst(%arg8 : memref<10000xi32, #tpu.memory_space<vmem>>)
      tpu.yield
    }) : () -> ()
    %dma_start3A = arith.constant 0 : i32
    %dma_start3A_3 = tpu.memref_slice %arg7[%dma_start3A] : memref<10000xi32, #tpu.memory_space<vmem>> -> memref<80xi32, #tpu.memory_space<vmem>>
    %dma_start3A_4 = arith.constant 0 : i32
    %dma_start3A_5 = arith.constant 0 : i32
    %dma_start3A_6 = tpu.memref_slice %arg2[%dma_start3A_4, %dma_start3A_5] : memref<10000x128xf32, #tpu.memory_space<hbm>> -> memref<10000x128xf32, #tpu.memory_space<hbm>>
    tpu.enqueue_indirect_dma source(%dma_start3A_6 : memref<10000x128xf32, #tpu.memory_space<hbm>>) target(%arg9 : memref<80x128xf32, #tpu.memory_space<vmem>>) offsets(%dma_start3A_3 : memref<80xi32, #tpu.memory_space<vmem>>) semaphore(%arg15 : memref<!tpu.dma_semaphore, #tpu.memory_space<semaphore_mem>>)
    %dma_start3A_7 = arith.constant 0 : i32
    %dma_start3A_8 = tpu.memref_slice %arg8[%dma_start3A_7] : memref<10000xi32, #tpu.memory_space<vmem>> -> memref<80xi32, #tpu.memory_space<vmem>>
    %dma_start3A_9 = arith.constant 0 : i32
    %dma_start3A_10 = arith.constant 0 : i32
    %dma_start3A_11 = tpu.memref_slice %arg3[%dma_start3A_9, %dma_start3A_10] : memref<10000x128xf32, #tpu.memory_space<hbm>> -> memref<10000x128xf32, #tpu.memory_space<hbm>>
    tpu.enqueue_indirect_dma source(%dma_start3A_11 : memref<10000x128xf32, #tpu.memory_space<hbm>>) target(%arg11 : memref<80x128xf32, #tpu.memory_space<vmem>>) offsets(%dma_start3A_8 : memref<80xi32, #tpu.memory_space<vmem>>) semaphore(%arg17 : memref<!tpu.dma_semaphore, #tpu.memory_space<semaphore_mem>>)
    %dma_wait3A = arith.constant 0 : i32
    %dma_wait3A_12 = tpu.memref_slice %arg7[%dma_wait3A] : memref<10000xi32, #tpu.memory_space<vmem>> -> memref<80xi32, #tpu.memory_space<vmem>>
    %dma_wait3A_13 = arith.constant 0 : i32
    %dma_wait3A_14 = arith.constant 0 : i32
    %dma_wait3A_15 = tpu.memref_slice %arg2[%dma_wait3A_13, %dma_wait3A_14] : memref<10000x128xf32, #tpu.memory_space<hbm>> -> memref<10000x128xf32, #tpu.memory_space<hbm>>
    tpu.wait_indirect_dma semaphore(%arg15 : memref<!tpu.dma_semaphore, #tpu.memory_space<semaphore_mem>>) src(%dma_wait3A_15 : memref<10000x128xf32, #tpu.memory_space<hbm>>) dst(%arg9 : memref<80x128xf32, #tpu.memory_space<vmem>>)
    %dma_wait3A_16 = arith.constant 0 : i32
    %dma_wait3A_17 = tpu.memref_slice %arg8[%dma_wait3A_16] : memref<10000xi32, #tpu.memory_space<vmem>> -> memref<80xi32, #tpu.memory_space<vmem>>
    %dma_wait3A_18 = arith.constant 0 : i32
    %dma_wait3A_19 = arith.constant 0 : i32
    %dma_wait3A_20 = tpu.memref_slice %arg3[%dma_wait3A_18, %dma_wait3A_19] : memref<10000x128xf32, #tpu.memory_space<hbm>> -> memref<10000x128xf32, #tpu.memory_space<hbm>>
    tpu.wait_indirect_dma semaphore(%arg17 : memref<!tpu.dma_semaphore, #tpu.memory_space<semaphore_mem>>) src(%dma_wait3A_20 : memref<10000x128xf32, #tpu.memory_space<hbm>>) dst(%arg11 : memref<80x128xf32, #tpu.memory_space<vmem>>)
    %dma_start3A_21 = arith.constant 80 : i32
    %dma_start3A_22 = tpu.memref_slice %arg7[%dma_start3A_21] : memref<10000xi32, #tpu.memory_space<vmem>> -> memref<80xi32, #tpu.memory_space<vmem>>
    %dma_start3A_23 = arith.constant 0 : i32
    %dma_start3A_24 = arith.constant 0 : i32
    %dma_start3A_25 = tpu.memref_slice %arg2[%dma_start3A_23, %dma_start3A_24] : memref<10000x128xf32, #tpu.memory_space<hbm>> -> memref<10000x128xf32, #tpu.memory_space<hbm>>
    tpu.enqueue_indirect_dma source(%dma_start3A_25 : memref<10000x128xf32, #tpu.memory_space<hbm>>) target(%arg10 : memref<80x128xf32, #tpu.memory_space<vmem>>) offsets(%dma_start3A_22 : memref<80xi32, #tpu.memory_space<vmem>>) semaphore(%arg16 : memref<!tpu.dma_semaphore, #tpu.memory_space<semaphore_mem>>)
    %dma_start3A_26 = arith.constant 80 : i32
    %dma_start3A_27 = tpu.memref_slice %arg8[%dma_start3A_26] : memref<10000xi32, #tpu.memory_space<vmem>> -> memref<80xi32, #tpu.memory_space<vmem>>
    %dma_start3A_28 = arith.constant 0 : i32
    %dma_start3A_29 = arith.constant 0 : i32
    %dma_start3A_30 = tpu.memref_slice %arg3[%dma_start3A_28, %dma_start3A_29] : memref<10000x128xf32, #tpu.memory_space<hbm>> -> memref<10000x128xf32, #tpu.memory_space<hbm>>
    tpu.enqueue_indirect_dma source(%dma_start3A_30 : memref<10000x128xf32, #tpu.memory_space<hbm>>) target(%arg12 : memref<80x128xf32, #tpu.memory_space<vmem>>) offsets(%dma_start3A_27 : memref<80xi32, #tpu.memory_space<vmem>>) semaphore(%arg18 : memref<!tpu.dma_semaphore, #tpu.memory_space<semaphore_mem>>)
    %scan3A = arith.constant 0 : i32
    %scan3A_31 = arith.constant 0 : i32
    %scan3A_32 = arith.constant 80 : i32
    %scan3A_33 = arith.addi %scan3A_31, %scan3A_32 : i32
    %scan3A_34 = arith.constant 1 : i32
    scf.for %scan3A_196 = %scan3A_31 to %scan3A_33 step %scan3A_34  : i32 {
      %get3A = arith.index_cast %scan3A_196 : i32 to index
      %get3A_197 = arith.constant 0 : index
      %get3A_198 = tpu.vector_load %arg9[%get3A, %get3A_197] {strides = array<i32>} : memref<80x128xf32, #tpu.memory_space<vmem>>, vector<1x16xf32>,
      %get3A_199 = vector.shape_cast %get3A_198 : vector<1x16xf32> to vector<16xf32>
      %get3A_200 = arith.index_cast %scan3A_196 : i32 to index
      %get3A_201 = arith.constant 0 : index
      %get3A_202 = tpu.vector_load %arg11[%get3A_200, %get3A_201] {strides = array<i32>} : memref<80x128xf32, #tpu.memory_space<vmem>>, vector<1x16xf32>,
      %get3A_203 = vector.shape_cast %get3A_202 : vector<1x16xf32> to vector<16xf32>
      %add3A_204 = arith.addf %get3A_199, %get3A_203 : vector<16xf32>
      %get3A_205 = arith.index_cast %scan3A_196 : i32 to index
      %get3A_206 = arith.constant 64 : index
      %get3A_207 = tpu.vector_load %arg9[%get3A_205, %get3A_206] {strides = array<i32>} : memref<80x128xf32, #tpu.memory_space<vmem>>, vector<1x16xf32>,
      %get3A_208 = vector.shape_cast %get3A_207 : vector<1x16xf32> to vector<16xf32>
      %get3A_209 = arith.index_cast %scan3A_196 : i32 to index
      %get3A_210 = arith.constant 64 : index
      %get3A_211 = tpu.vector_load %arg11[%get3A_209, %get3A_210] {strides = array<i32>} : memref<80x128xf32, #tpu.memory_space<vmem>>, vector<1x16xf32>,
      %get3A_212 = vector.shape_cast %get3A_211 : vector<1x16xf32> to vector<16xf32>
      %add3A_213 = arith.addf %get3A_208, %get3A_212 : vector<16xf32>
      %max3A = arith.constant 0.000000e+00 : f32
      %max3A_214 = vector.broadcast %max3A : f32 to vector<16xf32>
      %max3A_215 = arith.maximumf %add3A_204, %max3A_214 : vector<16xf32>
      %add3A_216 = arith.addf %max3A_215, %add3A_213 : vector<16xf32>
      %max3A_217 = arith.constant 0.000000e+00 : f32
      %max3A_218 = vector.broadcast %max3A_217 : f32 to vector<16xf32>
      %max3A_219 = arith.maximumf %add3A_216, %max3A_218 : vector<16xf32>
      %swap3A = arith.index_cast %scan3A_196 : i32 to index
      %swap3A_220 = arith.constant 0 : index
      %swap3A_221 = tpu.vector_load %arg13[%swap3A, %swap3A_220] {strides = array<i32>} : memref<80x64xf32, #tpu.memory_space<vmem>>, vector<1x16xf32>,
      %swap3A_222 = vector.shape_cast %swap3A_221 : vector<1x16xf32> to vector<16xf32>
      %swap3A_223 = vector.shape_cast %max3A_219 : vector<16xf32> to vector<1x16xf32>
      tpu.vector_store %arg13[%swap3A, %swap3A_220], %swap3A_223 {strides = array<i32>} : memref<80x64xf32, #tpu.memory_space<vmem>>, vector<1x16xf32>,
      %get3A_224 = arith.index_cast %scan3A_196 : i32 to index
      %get3A_225 = arith.constant 16 : index
      %get3A_226 = tpu.vector_load %arg9[%get3A_224, %get3A_225] {strides = array<i32>} : memref<80x128xf32, #tpu.memory_space<vmem>>, vector<1x16xf32>,
      %get3A_227 = vector.shape_cast %get3A_226 : vector<1x16xf32> to vector<16xf32>
      %get3A_228 = arith.index_cast %scan3A_196 : i32 to index
      %get3A_229 = arith.constant 16 : index
      %get3A_230 = tpu.vector_load %arg11[%get3A_228, %get3A_229] {strides = array<i32>} : memref<80x128xf32, #tpu.memory_space<vmem>>, vector<1x16xf32>,
      %get3A_231 = vector.shape_cast %get3A_230 : vector<1x16xf32> to vector<16xf32>
      %add3A_232 = arith.addf %get3A_227, %get3A_231 : vector<16xf32>
      %get3A_233 = arith.index_cast %scan3A_196 : i32 to index
      %get3A_234 = arith.constant 80 : index
      %get3A_235 = tpu.vector_load %arg9[%get3A_233, %get3A_234] {strides = array<i32>} : memref<80x128xf32, #tpu.memory_space<vmem>>, vector<1x16xf32>,
      %get3A_236 = vector.shape_cast %get3A_235 : vector<1x16xf32> to vector<16xf32>
      %get3A_237 = arith.index_cast %scan3A_196 : i32 to index
      %get3A_238 = arith.constant 80 : index
      %get3A_239 = tpu.vector_load %arg11[%get3A_237, %get3A_238] {strides = array<i32>} : memref<80x128xf32, #tpu.memory_space<vmem>>, vector<1x16xf32>,
      %get3A_240 = vector.shape_cast %get3A_239 : vector<1x16xf32> to vector<16xf32>
      %add3A_241 = arith.addf %get3A_236, %get3A_240 : vector<16xf32>
      %max3A_242 = arith.constant 0.000000e+00 : f32
      %max3A_243 = vector.broadcast %max3A_242 : f32 to vector<16xf32>
      %max3A_244 = arith.maximumf %add3A_232, %max3A_243 : vector<16xf32>
      %add3A_245 = arith.addf %max3A_244, %add3A_241 : vector<16xf32>
      %max3A_246 = arith.constant 0.000000e+00 : f32
      %max3A_247 = vector.broadcast %max3A_246 : f32 to vector<16xf32>
      %max3A_248 = arith.maximumf %add3A_245, %max3A_247 : vector<16xf32>
      %swap3A_249 = arith.index_cast %scan3A_196 : i32 to index
      %swap3A_250 = arith.constant 16 : index
      %swap3A_251 = tpu.vector_load %arg13[%swap3A_249, %swap3A_250] {strides = array<i32>} : memref<80x64xf32, #tpu.memory_space<vmem>>, vector<1x16xf32>,
      %swap3A_252 = vector.shape_cast %swap3A_251 : vector<1x16xf32> to vector<16xf32>
      %swap3A_253 = vector.shape_cast %max3A_248 : vector<16xf32> to vector<1x16xf32>
      tpu.vector_store %arg13[%swap3A_249, %swap3A_250], %swap3A_253 {strides = array<i32>} : memref<80x64xf32, #tpu.memory_space<vmem>>, vector<1x16xf32>,
      %get3A_254 = arith.index_cast %scan3A_196 : i32 to index
      %get3A_255 = arith.constant 32 : index
      %get3A_256 = tpu.vector_load %arg9[%get3A_254, %get3A_255] {strides = array<i32>} : memref<80x128xf32, #tpu.memory_space<vmem>>, vector<1x16xf32>,
      %get3A_257 = vector.shape_cast %get3A_256 : vector<1x16xf32> to vector<16xf32>
      %get3A_258 = arith.index_cast %scan3A_196 : i32 to index
      %get3A_259 = arith.constant 32 : index
      %get3A_260 = tpu.vector_load %arg11[%get3A_258, %get3A_259] {strides = array<i32>} : memref<80x128xf32, #tpu.memory_space<vmem>>, vector<1x16xf32>,
      %get3A_261 = vector.shape_cast %get3A_260 : vector<1x16xf32> to vector<16xf32>
      %add3A_262 = arith.addf %get3A_257, %get3A_261 : vector<16xf32>
      %get3A_263 = arith.index_cast %scan3A_196 : i32 to index
      %get3A_264 = arith.constant 96 : index
      %get3A_265 = tpu.vector_load %arg9[%get3A_263, %get3A_264] {strides = array<i32>} : memref<80x128xf32, #tpu.memory_space<vmem>>, vector<1x16xf32>,
      %get3A_266 = vector.shape_cast %get3A_265 : vector<1x16xf32> to vector<16xf32>
      %get3A_267 = arith.index_cast %scan3A_196 : i32 to index
      %get3A_268 = arith.constant 96 : index
      %get3A_269 = tpu.vector_load %arg11[%get3A_267, %get3A_268] {strides = array<i32>} : memref<80x128xf32, #tpu.memory_space<vmem>>, vector<1x16xf32>,
      %get3A_270 = vector.shape_cast %get3A_269 : vector<1x16xf32> to vector<16xf32>
      %add3A_271 = arith.addf %get3A_266, %get3A_270 : vector<16xf32>
      %max3A_272 = arith.constant 0.000000e+00 : f32
      %max3A_273 = vector.broadcast %max3A_272 : f32 to vector<16xf32>
      %max3A_274 = arith.maximumf %add3A_262, %max3A_273 : vector<16xf32>
      %add3A_275 = arith.addf %max3A_274, %add3A_271 : vector<16xf32>
      %max3A_276 = arith.constant 0.000000e+00 : f32
      %max3A_277 = vector.broadcast %max3A_276 : f32 to vector<16xf32>
      %max3A_278 = arith.maximumf %add3A_275, %max3A_277 : vector<16xf32>
      %swap3A_279 = arith.index_cast %scan3A_196 : i32 to index
      %swap3A_280 = arith.constant 32 : index
      %swap3A_281 = tpu.vector_load %arg13[%swap3A_279, %swap3A_280] {strides = array<i32>} : memref<80x64xf32, #tpu.memory_space<vmem>>, vector<1x16xf32>,
      %swap3A_282 = vector.shape_cast %swap3A_281 : vector<1x16xf32> to vector<16xf32>
      %swap3A_283 = vector.shape_cast %max3A_278 : vector<16xf32> to vector<1x16xf32>
      tpu.vector_store %arg13[%swap3A_279, %swap3A_280], %swap3A_283 {strides = array<i32>} : memref<80x64xf32, #tpu.memory_space<vmem>>, vector<1x16xf32>,
      %get3A_284 = arith.index_cast %scan3A_196 : i32 to index
      %get3A_285 = arith.constant 48 : index
      %get3A_286 = tpu.vector_load %arg9[%get3A_284, %get3A_285] {strides = array<i32>} : memref<80x128xf32, #tpu.memory_space<vmem>>, vector<1x16xf32>,
      %get3A_287 = vector.shape_cast %get3A_286 : vector<1x16xf32> to vector<16xf32>
      %get3A_288 = arith.index_cast %scan3A_196 : i32 to index
      %get3A_289 = arith.constant 48 : index
      %get3A_290 = tpu.vector_load %arg11[%get3A_288, %get3A_289] {strides = array<i32>} : memref<80x128xf32, #tpu.memory_space<vmem>>, vector<1x16xf32>,
      %get3A_291 = vector.shape_cast %get3A_290 : vector<1x16xf32> to vector<16xf32>
      %add3A_292 = arith.addf %get3A_287, %get3A_291 : vector<16xf32>
      %get3A_293 = arith.index_cast %scan3A_196 : i32 to index
      %get3A_294 = arith.constant 112 : index
      %get3A_295 = tpu.vector_load %arg9[%get3A_293, %get3A_294] {strides = array<i32>} : memref<80x128xf32, #tpu.memory_space<vmem>>, vector<1x16xf32>,
      %get3A_296 = vector.shape_cast %get3A_295 : vector<1x16xf32> to vector<16xf32>
      %get3A_297 = arith.index_cast %scan3A_196 : i32 to index
      %get3A_298 = arith.constant 112 : index
      %get3A_299 = tpu.vector_load %arg11[%get3A_297, %get3A_298] {strides = array<i32>} : memref<80x128xf32, #tpu.memory_space<vmem>>, vector<1x16xf32>,
      %get3A_300 = vector.shape_cast %get3A_299 : vector<1x16xf32> to vector<16xf32>
      %add3A_301 = arith.addf %get3A_296, %get3A_300 : vector<16xf32>
      %max3A_302 = arith.constant 0.000000e+00 : f32
      %max3A_303 = vector.broadcast %max3A_302 : f32 to vector<16xf32>
      %max3A_304 = arith.maximumf %add3A_292, %max3A_303 : vector<16xf32>
      %add3A_305 = arith.addf %max3A_304, %add3A_301 : vector<16xf32>
      %max3A_306 = arith.constant 0.000000e+00 : f32
      %max3A_307 = vector.broadcast %max3A_306 : f32 to vector<16xf32>
      %max3A_308 = arith.maximumf %add3A_305, %max3A_307 : vector<16xf32>
      %swap3A_309 = arith.index_cast %scan3A_196 : i32 to index
      %swap3A_310 = arith.constant 48 : index
      %swap3A_311 = tpu.vector_load %arg13[%swap3A_309, %swap3A_310] {strides = array<i32>} : memref<80x64xf32, #tpu.memory_space<vmem>>, vector<1x16xf32>,
      %swap3A_312 = vector.shape_cast %swap3A_311 : vector<1x16xf32> to vector<16xf32>
      %swap3A_313 = vector.shape_cast %max3A_308 : vector<16xf32> to vector<1x16xf32>
      tpu.vector_store %arg13[%swap3A_309, %swap3A_310], %swap3A_313 {strides = array<i32>} : memref<80x64xf32, #tpu.memory_space<vmem>>, vector<1x16xf32>,
    }
    %scan3A_35 = arith.constant 80 : i32
    %dma_start3A_36 = arith.constant 160 : i32
    %dma_start3A_37 = tpu.memref_slice %arg7[%dma_start3A_36] : memref<10000xi32, #tpu.memory_space<vmem>> -> memref<80xi32, #tpu.memory_space<vmem>>
    %dma_start3A_38 = arith.constant 0 : i32
    %dma_start3A_39 = arith.constant 0 : i32
    %dma_start3A_40 = tpu.memref_slice %arg2[%dma_start3A_38, %dma_start3A_39] : memref<10000x128xf32, #tpu.memory_space<hbm>> -> memref<10000x128xf32, #tpu.memory_space<hbm>>
    tpu.enqueue_indirect_dma source(%dma_start3A_40 : memref<10000x128xf32, #tpu.memory_space<hbm>>) target(%arg9 : memref<80x128xf32, #tpu.memory_space<vmem>>) offsets(%dma_start3A_37 : memref<80xi32, #tpu.memory_space<vmem>>) semaphore(%arg15 : memref<!tpu.dma_semaphore, #tpu.memory_space<semaphore_mem>>)
    %dma_start3A_41 = arith.constant 160 : i32
    %dma_start3A_42 = tpu.memref_slice %arg8[%dma_start3A_41] : memref<10000xi32, #tpu.memory_space<vmem>> -> memref<80xi32, #tpu.memory_space<vmem>>
    %dma_start3A_43 = arith.constant 0 : i32
    %dma_start3A_44 = arith.constant 0 : i32
    %dma_start3A_45 = tpu.memref_slice %arg3[%dma_start3A_43, %dma_start3A_44] : memref<10000x128xf32, #tpu.memory_space<hbm>> -> memref<10000x128xf32, #tpu.memory_space<hbm>>
    tpu.enqueue_indirect_dma source(%dma_start3A_45 : memref<10000x128xf32, #tpu.memory_space<hbm>>) target(%arg11 : memref<80x128xf32, #tpu.memory_space<vmem>>) offsets(%dma_start3A_42 : memref<80xi32, #tpu.memory_space<vmem>>) semaphore(%arg17 : memref<!tpu.dma_semaphore, #tpu.memory_space<semaphore_mem>>)
    %add3A_46 = arith.constant 0 : i32
    %add3A_47 = arith.addi %mul3A_2, %add3A_46 : i32
    %dma_start3A_48 = arith.constant 0 : i32
    %dma_start3A_49 = tpu.memref_slice %arg6[%add3A_47, %dma_start3A_48] : memref<320000x64xf32, #tpu.memory_space<hbm>> -> memref<80x64xf32, #tpu.memory_space<hbm>>
    %dma_start3A_50 = arith.constant 0 : i32
    %dma_start3A_51 = tpu.memref_slice %arg6[%add3A_47, %dma_start3A_50] : memref<320000x64xf32, #tpu.memory_space<hbm>> -> memref<80x64xf32, #tpu.memory_space<hbm>>
    tpu.enqueue_dma source(%arg13 : memref<80x64xf32, #tpu.memory_space<vmem>>) target(%dma_start3A_51 : memref<80x64xf32, #tpu.memory_space<hbm>>) target_semaphore(%arg19 : memref<!tpu.dma_semaphore, #tpu.memory_space<semaphore_mem>>)
    %dma_wait3A_52 = arith.constant 80 : i32
    %dma_wait3A_53 = tpu.memref_slice %arg7[%dma_wait3A_52] : memref<10000xi32, #tpu.memory_space<vmem>> -> memref<80xi32, #tpu.memory_space<vmem>>
    %dma_wait3A_54 = arith.constant 0 : i32
    %dma_wait3A_55 = arith.constant 0 : i32
    %dma_wait3A_56 = tpu.memref_slice %arg2[%dma_wait3A_54, %dma_wait3A_55] : memref<10000x128xf32, #tpu.memory_space<hbm>> -> memref<10000x128xf32, #tpu.memory_space<hbm>>
    tpu.wait_indirect_dma semaphore(%arg16 : memref<!tpu.dma_semaphore, #tpu.memory_space<semaphore_mem>>) src(%dma_wait3A_56 : memref<10000x128xf32, #tpu.memory_space<hbm>>) dst(%arg10 : memref<80x128xf32, #tpu.memory_space<vmem>>)
    %dma_wait3A_57 = arith.constant 80 : i32
    %dma_wait3A_58 = tpu.memref_slice %arg8[%dma_wait3A_57] : memref<10000xi32, #tpu.memory_space<vmem>> -> memref<80xi32, #tpu.memory_space<vmem>>
    %dma_wait3A_59 = arith.constant 0 : i32
    %dma_wait3A_60 = arith.constant 0 : i32
    %dma_wait3A_61 = tpu.memref_slice %arg3[%dma_wait3A_59, %dma_wait3A_60] : memref<10000x128xf32, #tpu.memory_space<hbm>> -> memref<10000x128xf32, #tpu.memory_space<hbm>>
    tpu.wait_indirect_dma semaphore(%arg18 : memref<!tpu.dma_semaphore, #tpu.memory_space<semaphore_mem>>) src(%dma_wait3A_61 : memref<10000x128xf32, #tpu.memory_space<hbm>>) dst(%arg12 : memref<80x128xf32, #tpu.memory_space<vmem>>)
    %scan3A_62 = arith.constant 0 : i32
    %scan3A_63 = arith.constant 0 : i32
    %scan3A_64 = arith.constant 80 : i32
    %scan3A_65 = arith.addi %scan3A_63, %scan3A_64 : i32
    %scan3A_66 = arith.constant 1 : i32
    scf.for %scan3A_196 = %scan3A_63 to %scan3A_65 step %scan3A_66  : i32 {
      %get3A = arith.index_cast %scan3A_196 : i32 to index
      %get3A_197 = arith.constant 0 : index
      %get3A_198 = tpu.vector_load %arg10[%get3A, %get3A_197] {strides = array<i32>} : memref<80x128xf32, #tpu.memory_space<vmem>>, vector<1x16xf32>,
      %get3A_199 = vector.shape_cast %get3A_198 : vector<1x16xf32> to vector<16xf32>
      %get3A_200 = arith.index_cast %scan3A_196 : i32 to index
      %get3A_201 = arith.constant 0 : index
      %get3A_202 = tpu.vector_load %arg12[%get3A_200, %get3A_201] {strides = array<i32>} : memref<80x128xf32, #tpu.memory_space<vmem>>, vector<1x16xf32>,
      %get3A_203 = vector.shape_cast %get3A_202 : vector<1x16xf32> to vector<16xf32>
      %add3A_204 = arith.addf %get3A_199, %get3A_203 : vector<16xf32>
      %get3A_205 = arith.index_cast %scan3A_196 : i32 to index
      %get3A_206 = arith.constant 64 : index
      %get3A_207 = tpu.vector_load %arg10[%get3A_205, %get3A_206] {strides = array<i32>} : memref<80x128xf32, #tpu.memory_space<vmem>>, vector<1x16xf32>,
      %get3A_208 = vector.shape_cast %get3A_207 : vector<1x16xf32> to vector<16xf32>
      %get3A_209 = arith.index_cast %scan3A_196 : i32 to index
      %get3A_210 = arith.constant 64 : index
      %get3A_211 = tpu.vector_load %arg12[%get3A_209, %get3A_210] {strides = array<i32>} : memref<80x128xf32, #tpu.memory_space<vmem>>, vector<1x16xf32>,
      %get3A_212 = vector.shape_cast %get3A_211 : vector<1x16xf32> to vector<16xf32>
      %add3A_213 = arith.addf %get3A_208, %get3A_212 : vector<16xf32>
      %max3A = arith.constant 0.000000e+00 : f32
      %max3A_214 = vector.broadcast %max3A : f32 to vector<16xf32>
      %max3A_215 = arith.maximumf %add3A_204, %max3A_214 : vector<16xf32>
      %add3A_216 = arith.addf %max3A_215, %add3A_213 : vector<16xf32>
      %max3A_217 = arith.constant 0.000000e+00 : f32
      %max3A_218 = vector.broadcast %max3A_217 : f32 to vector<16xf32>
      %max3A_219 = arith.maximumf %add3A_216, %max3A_218 : vector<16xf32>
      %swap3A = arith.index_cast %scan3A_196 : i32 to index
      %swap3A_220 = arith.constant 0 : index
      %swap3A_221 = tpu.vector_load %arg14[%swap3A, %swap3A_220] {strides = array<i32>} : memref<80x64xf32, #tpu.memory_space<vmem>>, vector<1x16xf32>,
      %swap3A_222 = vector.shape_cast %swap3A_221 : vector<1x16xf32> to vector<16xf32>
      %swap3A_223 = vector.shape_cast %max3A_219 : vector<16xf32> to vector<1x16xf32>
      tpu.vector_store %arg14[%swap3A, %swap3A_220], %swap3A_223 {strides = array<i32>} : memref<80x64xf32, #tpu.memory_space<vmem>>, vector<1x16xf32>,
      %get3A_224 = arith.index_cast %scan3A_196 : i32 to index
      %get3A_225 = arith.constant 16 : index
      %get3A_226 = tpu.vector_load %arg10[%get3A_224, %get3A_225] {strides = array<i32>} : memref<80x128xf32, #tpu.memory_space<vmem>>, vector<1x16xf32>,
      %get3A_227 = vector.shape_cast %get3A_226 : vector<1x16xf32> to vector<16xf32>
      %get3A_228 = arith.index_cast %scan3A_196 : i32 to index
      %get3A_229 = arith.constant 16 : index
      %get3A_230 = tpu.vector_load %arg12[%get3A_228, %get3A_229] {strides = array<i32>} : memref<80x128xf32, #tpu.memory_space<vmem>>, vector<1x16xf32>,
      %get3A_231 = vector.shape_cast %get3A_230 : vector<1x16xf32> to vector<16xf32>
      %add3A_232 = arith.addf %get3A_227, %get3A_231 : vector<16xf32>
      %get3A_233 = arith.index_cast %scan3A_196 : i32 to index
      %get3A_234 = arith.constant 80 : index
      %get3A_235 = tpu.vector_load %arg10[%get3A_233, %get3A_234] {strides = array<i32>} : memref<80x128xf32, #tpu.memory_space<vmem>>, vector<1x16xf32>,
      %get3A_236 = vector.shape_cast %get3A_235 : vector<1x16xf32> to vector<16xf32>
      %get3A_237 = arith.index_cast %scan3A_196 : i32 to index
      %get3A_238 = arith.constant 80 : index
      %get3A_239 = tpu.vector_load %arg12[%get3A_237, %get3A_238] {strides = array<i32>} : memref<80x128xf32, #tpu.memory_space<vmem>>, vector<1x16xf32>,
      %get3A_240 = vector.shape_cast %get3A_239 : vector<1x16xf32> to vector<16xf32>
      %add3A_241 = arith.addf %get3A_236, %get3A_240 : vector<16xf32>
      %max3A_242 = arith.constant 0.000000e+00 : f32
      %max3A_243 = vector.broadcast %max3A_242 : f32 to vector<16xf32>
      %max3A_244 = arith.maximumf %add3A_232, %max3A_243 : vector<16xf32>
      %add3A_245 = arith.addf %max3A_244, %add3A_241 : vector<16xf32>
      %max3A_246 = arith.constant 0.000000e+00 : f32
      %max3A_247 = vector.broadcast %max3A_246 : f32 to vector<16xf32>
      %max3A_248 = arith.maximumf %add3A_245, %max3A_247 : vector<16xf32>
      %swap3A_249 = arith.index_cast %scan3A_196 : i32 to index
      %swap3A_250 = arith.constant 16 : index
      %swap3A_251 = tpu.vector_load %arg14[%swap3A_249, %swap3A_250] {strides = array<i32>} : memref<80x64xf32, #tpu.memory_space<vmem>>, vector<1x16xf32>,
      %swap3A_252 = vector.shape_cast %swap3A_251 : vector<1x16xf32> to vector<16xf32>
      %swap3A_253 = vector.shape_cast %max3A_248 : vector<16xf32> to vector<1x16xf32>
      tpu.vector_store %arg14[%swap3A_249, %swap3A_250], %swap3A_253 {strides = array<i32>} : memref<80x64xf32, #tpu.memory_space<vmem>>, vector<1x16xf32>,
      %get3A_254 = arith.index_cast %scan3A_196 : i32 to index
      %get3A_255 = arith.constant 32 : index
      %get3A_256 = tpu.vector_load %arg10[%get3A_254, %get3A_255] {strides = array<i32>} : memref<80x128xf32, #tpu.memory_space<vmem>>, vector<1x16xf32>,
      %get3A_257 = vector.shape_cast %get3A_256 : vector<1x16xf32> to vector<16xf32>
      %get3A_258 = arith.index_cast %scan3A_196 : i32 to index
      %get3A_259 = arith.constant 32 : index
      %get3A_260 = tpu.vector_load %arg12[%get3A_258, %get3A_259] {strides = array<i32>} : memref<80x128xf32, #tpu.memory_space<vmem>>, vector<1x16xf32>,
      %get3A_261 = vector.shape_cast %get3A_260 : vector<1x16xf32> to vector<16xf32>
      %add3A_262 = arith.addf %get3A_257, %get3A_261 : vector<16xf32>
      %get3A_263 = arith.index_cast %scan3A_196 : i32 to index
      %get3A_264 = arith.constant 96 : index
      %get3A_265 = tpu.vector_load %arg10[%get3A_263, %get3A_264] {strides = array<i32>} : memref<80x128xf32, #tpu.memory_space<vmem>>, vector<1x16xf32>,
      %get3A_266 = vector.shape_cast %get3A_265 : vector<1x16xf32> to vector<16xf32>
      %get3A_267 = arith.index_cast %scan3A_196 : i32 to index
      %get3A_268 = arith.constant 96 : index
      %get3A_269 = tpu.vector_load %arg12[%get3A_267, %get3A_268] {strides = array<i32>} : memref<80x128xf32, #tpu.memory_space<vmem>>, vector<1x16xf32>,
      %get3A_270 = vector.shape_cast %get3A_269 : vector<1x16xf32> to vector<16xf32>
      %add3A_271 = arith.addf %get3A_266, %get3A_270 : vector<16xf32>
      %max3A_272 = arith.constant 0.000000e+00 : f32
      %max3A_273 = vector.broadcast %max3A_272 : f32 to vector<16xf32>
      %max3A_274 = arith.maximumf %add3A_262, %max3A_273 : vector<16xf32>
      %add3A_275 = arith.addf %max3A_274, %add3A_271 : vector<16xf32>
      %max3A_276 = arith.constant 0.000000e+00 : f32
      %max3A_277 = vector.broadcast %max3A_276 : f32 to vector<16xf32>
      %max3A_278 = arith.maximumf %add3A_275, %max3A_277 : vector<16xf32>
      %swap3A_279 = arith.index_cast %scan3A_196 : i32 to index
      %swap3A_280 = arith.constant 32 : index
      %swap3A_281 = tpu.vector_load %arg14[%swap3A_279, %swap3A_280] {strides = array<i32>} : memref<80x64xf32, #tpu.memory_space<vmem>>, vector<1x16xf32>,
      %swap3A_282 = vector.shape_cast %swap3A_281 : vector<1x16xf32> to vector<16xf32>
      %swap3A_283 = vector.shape_cast %max3A_278 : vector<16xf32> to vector<1x16xf32>
      tpu.vector_store %arg14[%swap3A_279, %swap3A_280], %swap3A_283 {strides = array<i32>} : memref<80x64xf32, #tpu.memory_space<vmem>>, vector<1x16xf32>,
      %get3A_284 = arith.index_cast %scan3A_196 : i32 to index
      %get3A_285 = arith.constant 48 : index
      %get3A_286 = tpu.vector_load %arg10[%get3A_284, %get3A_285] {strides = array<i32>} : memref<80x128xf32, #tpu.memory_space<vmem>>, vector<1x16xf32>,
      %get3A_287 = vector.shape_cast %get3A_286 : vector<1x16xf32> to vector<16xf32>
      %get3A_288 = arith.index_cast %scan3A_196 : i32 to index
      %get3A_289 = arith.constant 48 : index
      %get3A_290 = tpu.vector_load %arg12[%get3A_288, %get3A_289] {strides = array<i32>} : memref<80x128xf32, #tpu.memory_space<vmem>>, vector<1x16xf32>,
      %get3A_291 = vector.shape_cast %get3A_290 : vector<1x16xf32> to vector<16xf32>
      %add3A_292 = arith.addf %get3A_287, %get3A_291 : vector<16xf32>
      %get3A_293 = arith.index_cast %scan3A_196 : i32 to index
      %get3A_294 = arith.constant 112 : index
      %get3A_295 = tpu.vector_load %arg10[%get3A_293, %get3A_294] {strides = array<i32>} : memref<80x128xf32, #tpu.memory_space<vmem>>, vector<1x16xf32>,
      %get3A_296 = vector.shape_cast %get3A_295 : vector<1x16xf32> to vector<16xf32>
      %get3A_297 = arith.index_cast %scan3A_196 : i32 to index
      %get3A_298 = arith.constant 112 : index
      %get3A_299 = tpu.vector_load %arg12[%get3A_297, %get3A_298] {strides = array<i32>} : memref<80x128xf32, #tpu.memory_space<vmem>>, vector<1x16xf32>,
      %get3A_300 = vector.shape_cast %get3A_299 : vector<1x16xf32> to vector<16xf32>
      %add3A_301 = arith.addf %get3A_296, %get3A_300 : vector<16xf32>
      %max3A_302 = arith.constant 0.000000e+00 : f32
      %max3A_303 = vector.broadcast %max3A_302 : f32 to vector<16xf32>
      %max3A_304 = arith.maximumf %add3A_292, %max3A_303 : vector<16xf32>
      %add3A_305 = arith.addf %max3A_304, %add3A_301 : vector<16xf32>
      %max3A_306 = arith.constant 0.000000e+00 : f32
      %max3A_307 = vector.broadcast %max3A_306 : f32 to vector<16xf32>
      %max3A_308 = arith.maximumf %add3A_305, %max3A_307 : vector<16xf32>
      %swap3A_309 = arith.index_cast %scan3A_196 : i32 to index
      %swap3A_310 = arith.constant 48 : index
      %swap3A_311 = tpu.vector_load %arg14[%swap3A_309, %swap3A_310] {strides = array<i32>} : memref<80x64xf32, #tpu.memory_space<vmem>>, vector<1x16xf32>,
      %swap3A_312 = vector.shape_cast %swap3A_311 : vector<1x16xf32> to vector<16xf32>
      %swap3A_313 = vector.shape_cast %max3A_308 : vector<16xf32> to vector<1x16xf32>
      tpu.vector_store %arg14[%swap3A_309, %swap3A_310], %swap3A_313 {strides = array<i32>} : memref<80x64xf32, #tpu.memory_space<vmem>>, vector<1x16xf32>,
    }
    %scan3A_67 = arith.constant 80 : i32
    %dma_start3A_68 = arith.constant 240 : i32
    %dma_start3A_69 = tpu.memref_slice %arg7[%dma_start3A_68] : memref<10000xi32, #tpu.memory_space<vmem>> -> memref<80xi32, #tpu.memory_space<vmem>>
    %dma_start3A_70 = arith.constant 0 : i32
    %dma_start3A_71 = arith.constant 0 : i32
    %dma_start3A_72 = tpu.memref_slice %arg2[%dma_start3A_70, %dma_start3A_71] : memref<10000x128xf32, #tpu.memory_space<hbm>> -> memref<10000x128xf32, #tpu.memory_space<hbm>>
    tpu.enqueue_indirect_dma source(%dma_start3A_72 : memref<10000x128xf32, #tpu.memory_space<hbm>>) target(%arg10 : memref<80x128xf32, #tpu.memory_space<vmem>>) offsets(%dma_start3A_69 : memref<80xi32, #tpu.memory_space<vmem>>) semaphore(%arg16 : memref<!tpu.dma_semaphore, #tpu.memory_space<semaphore_mem>>)
    %dma_start3A_73 = arith.constant 240 : i32
    %dma_start3A_74 = tpu.memref_slice %arg8[%dma_start3A_73] : memref<10000xi32, #tpu.memory_space<vmem>> -> memref<80xi32, #tpu.memory_space<vmem>>
    %dma_start3A_75 = arith.constant 0 : i32
    %dma_start3A_76 = arith.constant 0 : i32
    %dma_start3A_77 = tpu.memref_slice %arg3[%dma_start3A_75, %dma_start3A_76] : memref<10000x128xf32, #tpu.memory_space<hbm>> -> memref<10000x128xf32, #tpu.memory_space<hbm>>
    tpu.enqueue_indirect_dma source(%dma_start3A_77 : memref<10000x128xf32, #tpu.memory_space<hbm>>) target(%arg12 : memref<80x128xf32, #tpu.memory_space<vmem>>) offsets(%dma_start3A_74 : memref<80xi32, #tpu.memory_space<vmem>>) semaphore(%arg18 : memref<!tpu.dma_semaphore, #tpu.memory_space<semaphore_mem>>)
    %add3A_78 = arith.constant 80 : i32
    %add3A_79 = arith.addi %mul3A_2, %add3A_78 : i32
    %dma_start3A_80 = arith.constant 0 : i32
    %dma_start3A_81 = tpu.memref_slice %arg6[%add3A_79, %dma_start3A_80] : memref<320000x64xf32, #tpu.memory_space<hbm>> -> memref<80x64xf32, #tpu.memory_space<hbm>>
    %dma_start3A_82 = arith.constant 0 : i32
    %dma_start3A_83 = tpu.memref_slice %arg6[%add3A_79, %dma_start3A_82] : memref<320000x64xf32, #tpu.memory_space<hbm>> -> memref<80x64xf32, #tpu.memory_space<hbm>>
    tpu.enqueue_dma source(%arg14 : memref<80x64xf32, #tpu.memory_space<vmem>>) target(%dma_start3A_83 : memref<80x64xf32, #tpu.memory_space<hbm>>) target_semaphore(%arg20 : memref<!tpu.dma_semaphore, #tpu.memory_space<semaphore_mem>>)
    %dma_wait3A_84 = arith.constant 160 : i32
    %dma_wait3A_85 = tpu.memref_slice %arg7[%dma_wait3A_84] : memref<10000xi32, #tpu.memory_space<vmem>> -> memref<80xi32, #tpu.memory_space<vmem>>
    %dma_wait3A_86 = arith.constant 0 : i32
    %dma_wait3A_87 = arith.constant 0 : i32
    %dma_wait3A_88 = tpu.memref_slice %arg2[%dma_wait3A_86, %dma_wait3A_87] : memref<10000x128xf32, #tpu.memory_space<hbm>> -> memref<10000x128xf32, #tpu.memory_space<hbm>>
    tpu.wait_indirect_dma semaphore(%arg15 : memref<!tpu.dma_semaphore, #tpu.memory_space<semaphore_mem>>) src(%dma_wait3A_88 : memref<10000x128xf32, #tpu.memory_space<hbm>>) dst(%arg9 : memref<80x128xf32, #tpu.memory_space<vmem>>)
    %dma_wait3A_89 = arith.constant 160 : i32
    %dma_wait3A_90 = tpu.memref_slice %arg8[%dma_wait3A_89] : memref<10000xi32, #tpu.memory_space<vmem>> -> memref<80xi32, #tpu.memory_space<vmem>>
    %dma_wait3A_91 = arith.constant 0 : i32
    %dma_wait3A_92 = arith.constant 0 : i32
    %dma_wait3A_93 = tpu.memref_slice %arg3[%dma_wait3A_91, %dma_wait3A_92] : memref<10000x128xf32, #tpu.memory_space<hbm>> -> memref<10000x128xf32, #tpu.memory_space<hbm>>
    tpu.wait_indirect_dma semaphore(%arg17 : memref<!tpu.dma_semaphore, #tpu.memory_space<semaphore_mem>>) src(%dma_wait3A_93 : memref<10000x128xf32, #tpu.memory_space<hbm>>) dst(%arg11 : memref<80x128xf32, #tpu.memory_space<vmem>>)
    %scan3A_94 = arith.constant 0 : i32
    %scan3A_95 = arith.constant 1 : i32
    %scan3A_96 = arith.constant 60 : i32
    %scan3A_97 = arith.addi %scan3A_95, %scan3A_96 : i32
    %scan3A_98 = arith.constant 1 : i32
    scf.for %scan3A_196 = %scan3A_95 to %scan3A_97 step %scan3A_98  : i32 {
      %mul3A_197 = arith.constant 2 : i32
      %mul3A_198 = arith.muli %mul3A_197, %scan3A_196 : i32
      %mul3A_199 = arith.constant 80 : i32
      %mul3A_200 = arith.muli %mul3A_198, %mul3A_199 : i32
      %add3A_201 = arith.addi %mul3A_2, %mul3A_200 : i32
      %dma_wait3A_202 = arith.constant 0 : i32
      %dma_wait3A_203 = tpu.memref_slice %arg6[%add3A_201, %dma_wait3A_202] : memref<320000x64xf32, #tpu.memory_space<hbm>> -> memref<80x64xf32, #tpu.memory_space<hbm>>
      %dma_wait3A_204 = arith.constant 0 : i32
      %dma_wait3A_205 = tpu.memref_slice %arg6[%add3A_201, %dma_wait3A_204] : memref<320000x64xf32, #tpu.memory_space<hbm>> -> memref<80x64xf32, #tpu.memory_space<hbm>>
      tpu.wait_dma2 semaphore(%arg19 : memref<!tpu.dma_semaphore, #tpu.memory_space<semaphore_mem>>) src(%arg13 : memref<80x64xf32, #tpu.memory_space<vmem>>) dst(%dma_wait3A_205 : memref<80x64xf32, #tpu.memory_space<hbm>>)
      %scan3A_206 = arith.constant 0 : i32
      %scan3A_207 = arith.constant 0 : i32
      %scan3A_208 = arith.constant 80 : i32
      %scan3A_209 = arith.addi %scan3A_207, %scan3A_208 : i32
      %scan3A_210 = arith.constant 1 : i32
      scf.for %scan3A_299 = %scan3A_207 to %scan3A_209 step %scan3A_210  : i32 {
        %get3A = arith.index_cast %scan3A_299 : i32 to index
        %get3A_300 = arith.constant 0 : index
        %get3A_301 = tpu.vector_load %arg9[%get3A, %get3A_300] {strides = array<i32>} : memref<80x128xf32, #tpu.memory_space<vmem>>, vector<1x16xf32>,
        %get3A_302 = vector.shape_cast %get3A_301 : vector<1x16xf32> to vector<16xf32>
        %get3A_303 = arith.index_cast %scan3A_299 : i32 to index
        %get3A_304 = arith.constant 0 : index
        %get3A_305 = tpu.vector_load %arg11[%get3A_303, %get3A_304] {strides = array<i32>} : memref<80x128xf32, #tpu.memory_space<vmem>>, vector<1x16xf32>,
        %get3A_306 = vector.shape_cast %get3A_305 : vector<1x16xf32> to vector<16xf32>
        %add3A_307 = arith.addf %get3A_302, %get3A_306 : vector<16xf32>
        %get3A_308 = arith.index_cast %scan3A_299 : i32 to index
        %get3A_309 = arith.constant 64 : index
        %get3A_310 = tpu.vector_load %arg9[%get3A_308, %get3A_309] {strides = array<i32>} : memref<80x128xf32, #tpu.memory_space<vmem>>, vector<1x16xf32>,
        %get3A_311 = vector.shape_cast %get3A_310 : vector<1x16xf32> to vector<16xf32>
        %get3A_312 = arith.index_cast %scan3A_299 : i32 to index
        %get3A_313 = arith.constant 64 : index
        %get3A_314 = tpu.vector_load %arg11[%get3A_312, %get3A_313] {strides = array<i32>} : memref<80x128xf32, #tpu.memory_space<vmem>>, vector<1x16xf32>,
        %get3A_315 = vector.shape_cast %get3A_314 : vector<1x16xf32> to vector<16xf32>
        %add3A_316 = arith.addf %get3A_311, %get3A_315 : vector<16xf32>
        %max3A = arith.constant 0.000000e+00 : f32
        %max3A_317 = vector.broadcast %max3A : f32 to vector<16xf32>
        %max3A_318 = arith.maximumf %add3A_307, %max3A_317 : vector<16xf32>
        %add3A_319 = arith.addf %max3A_318, %add3A_316 : vector<16xf32>
        %max3A_320 = arith.constant 0.000000e+00 : f32
        %max3A_321 = vector.broadcast %max3A_320 : f32 to vector<16xf32>
        %max3A_322 = arith.maximumf %add3A_319, %max3A_321 : vector<16xf32>
        %swap3A = arith.index_cast %scan3A_299 : i32 to index
        %swap3A_323 = arith.constant 0 : index
        %swap3A_324 = tpu.vector_load %arg13[%swap3A, %swap3A_323] {strides = array<i32>} : memref<80x64xf32, #tpu.memory_space<vmem>>, vector<1x16xf32>,
        %swap3A_325 = vector.shape_cast %swap3A_324 : vector<1x16xf32> to vector<16xf32>
        %swap3A_326 = vector.shape_cast %max3A_322 : vector<16xf32> to vector<1x16xf32>
        tpu.vector_store %arg13[%swap3A, %swap3A_323], %swap3A_326 {strides = array<i32>} : memref<80x64xf32, #tpu.memory_space<vmem>>, vector<1x16xf32>,
        %get3A_327 = arith.index_cast %scan3A_299 : i32 to index
        %get3A_328 = arith.constant 16 : index
        %get3A_329 = tpu.vector_load %arg9[%get3A_327, %get3A_328] {strides = array<i32>} : memref<80x128xf32, #tpu.memory_space<vmem>>, vector<1x16xf32>,
        %get3A_330 = vector.shape_cast %get3A_329 : vector<1x16xf32> to vector<16xf32>
        %get3A_331 = arith.index_cast %scan3A_299 : i32 to index
        %get3A_332 = arith.constant 16 : index
        %get3A_333 = tpu.vector_load %arg11[%get3A_331, %get3A_332] {strides = array<i32>} : memref<80x128xf32, #tpu.memory_space<vmem>>, vector<1x16xf32>,
        %get3A_334 = vector.shape_cast %get3A_333 : vector<1x16xf32> to vector<16xf32>
        %add3A_335 = arith.addf %get3A_330, %get3A_334 : vector<16xf32>
        %get3A_336 = arith.index_cast %scan3A_299 : i32 to index
        %get3A_337 = arith.constant 80 : index
        %get3A_338 = tpu.vector_load %arg9[%get3A_336, %get3A_337] {strides = array<i32>} : memref<80x128xf32, #tpu.memory_space<vmem>>, vector<1x16xf32>,
        %get3A_339 = vector.shape_cast %get3A_338 : vector<1x16xf32> to vector<16xf32>
        %get3A_340 = arith.index_cast %scan3A_299 : i32 to index
        %get3A_341 = arith.constant 80 : index
        %get3A_342 = tpu.vector_load %arg11[%get3A_340, %get3A_341] {strides = array<i32>} : memref<80x128xf32, #tpu.memory_space<vmem>>, vector<1x16xf32>,
        %get3A_343 = vector.shape_cast %get3A_342 : vector<1x16xf32> to vector<16xf32>
        %add3A_344 = arith.addf %get3A_339, %get3A_343 : vector<16xf32>
        %max3A_345 = arith.constant 0.000000e+00 : f32
        %max3A_346 = vector.broadcast %max3A_345 : f32 to vector<16xf32>
        %max3A_347 = arith.maximumf %add3A_335, %max3A_346 : vector<16xf32>
        %add3A_348 = arith.addf %max3A_347, %add3A_344 : vector<16xf32>
        %max3A_349 = arith.constant 0.000000e+00 : f32
        %max3A_350 = vector.broadcast %max3A_349 : f32 to vector<16xf32>
        %max3A_351 = arith.maximumf %add3A_348, %max3A_350 : vector<16xf32>
        %swap3A_352 = arith.index_cast %scan3A_299 : i32 to index
        %swap3A_353 = arith.constant 16 : index
        %swap3A_354 = tpu.vector_load %arg13[%swap3A_352, %swap3A_353] {strides = array<i32>} : memref<80x64xf32, #tpu.memory_space<vmem>>, vector<1x16xf32>,
        %swap3A_355 = vector.shape_cast %swap3A_354 : vector<1x16xf32> to vector<16xf32>
        %swap3A_356 = vector.shape_cast %max3A_351 : vector<16xf32> to vector<1x16xf32>
        tpu.vector_store %arg13[%swap3A_352, %swap3A_353], %swap3A_356 {strides = array<i32>} : memref<80x64xf32, #tpu.memory_space<vmem>>, vector<1x16xf32>,
        %get3A_357 = arith.index_cast %scan3A_299 : i32 to index
        %get3A_358 = arith.constant 32 : index
        %get3A_359 = tpu.vector_load %arg9[%get3A_357, %get3A_358] {strides = array<i32>} : memref<80x128xf32, #tpu.memory_space<vmem>>, vector<1x16xf32>,
        %get3A_360 = vector.shape_cast %get3A_359 : vector<1x16xf32> to vector<16xf32>
        %get3A_361 = arith.index_cast %scan3A_299 : i32 to index
        %get3A_362 = arith.constant 32 : index
        %get3A_363 = tpu.vector_load %arg11[%get3A_361, %get3A_362] {strides = array<i32>} : memref<80x128xf32, #tpu.memory_space<vmem>>, vector<1x16xf32>,
        %get3A_364 = vector.shape_cast %get3A_363 : vector<1x16xf32> to vector<16xf32>
        %add3A_365 = arith.addf %get3A_360, %get3A_364 : vector<16xf32>
        %get3A_366 = arith.index_cast %scan3A_299 : i32 to index
        %get3A_367 = arith.constant 96 : index
        %get3A_368 = tpu.vector_load %arg9[%get3A_366, %get3A_367] {strides = array<i32>} : memref<80x128xf32, #tpu.memory_space<vmem>>, vector<1x16xf32>,
        %get3A_369 = vector.shape_cast %get3A_368 : vector<1x16xf32> to vector<16xf32>
        %get3A_370 = arith.index_cast %scan3A_299 : i32 to index
        %get3A_371 = arith.constant 96 : index
        %get3A_372 = tpu.vector_load %arg11[%get3A_370, %get3A_371] {strides = array<i32>} : memref<80x128xf32, #tpu.memory_space<vmem>>, vector<1x16xf32>,
        %get3A_373 = vector.shape_cast %get3A_372 : vector<1x16xf32> to vector<16xf32>
        %add3A_374 = arith.addf %get3A_369, %get3A_373 : vector<16xf32>
        %max3A_375 = arith.constant 0.000000e+00 : f32
        %max3A_376 = vector.broadcast %max3A_375 : f32 to vector<16xf32>
        %max3A_377 = arith.maximumf %add3A_365, %max3A_376 : vector<16xf32>
        %add3A_378 = arith.addf %max3A_377, %add3A_374 : vector<16xf32>
        %max3A_379 = arith.constant 0.000000e+00 : f32
        %max3A_380 = vector.broadcast %max3A_379 : f32 to vector<16xf32>
        %max3A_381 = arith.maximumf %add3A_378, %max3A_380 : vector<16xf32>
        %swap3A_382 = arith.index_cast %scan3A_299 : i32 to index
        %swap3A_383 = arith.constant 32 : index
        %swap3A_384 = tpu.vector_load %arg13[%swap3A_382, %swap3A_383] {strides = array<i32>} : memref<80x64xf32, #tpu.memory_space<vmem>>, vector<1x16xf32>,
        %swap3A_385 = vector.shape_cast %swap3A_384 : vector<1x16xf32> to vector<16xf32>
        %swap3A_386 = vector.shape_cast %max3A_381 : vector<16xf32> to vector<1x16xf32>
        tpu.vector_store %arg13[%swap3A_382, %swap3A_383], %swap3A_386 {strides = array<i32>} : memref<80x64xf32, #tpu.memory_space<vmem>>, vector<1x16xf32>,
        %get3A_387 = arith.index_cast %scan3A_299 : i32 to index
        %get3A_388 = arith.constant 48 : index
        %get3A_389 = tpu.vector_load %arg9[%get3A_387, %get3A_388] {strides = array<i32>} : memref<80x128xf32, #tpu.memory_space<vmem>>, vector<1x16xf32>,
        %get3A_390 = vector.shape_cast %get3A_389 : vector<1x16xf32> to vector<16xf32>
        %get3A_391 = arith.index_cast %scan3A_299 : i32 to index
        %get3A_392 = arith.constant 48 : index
        %get3A_393 = tpu.vector_load %arg11[%get3A_391, %get3A_392] {strides = array<i32>} : memref<80x128xf32, #tpu.memory_space<vmem>>, vector<1x16xf32>,
        %get3A_394 = vector.shape_cast %get3A_393 : vector<1x16xf32> to vector<16xf32>
        %add3A_395 = arith.addf %get3A_390, %get3A_394 : vector<16xf32>
        %get3A_396 = arith.index_cast %scan3A_299 : i32 to index
        %get3A_397 = arith.constant 112 : index
        %get3A_398 = tpu.vector_load %arg9[%get3A_396, %get3A_397] {strides = array<i32>} : memref<80x128xf32, #tpu.memory_space<vmem>>, vector<1x16xf32>,
        %get3A_399 = vector.shape_cast %get3A_398 : vector<1x16xf32> to vector<16xf32>
        %get3A_400 = arith.index_cast %scan3A_299 : i32 to index
        %get3A_401 = arith.constant 112 : index
        %get3A_402 = tpu.vector_load %arg11[%get3A_400, %get3A_401] {strides = array<i32>} : memref<80x128xf32, #tpu.memory_space<vmem>>, vector<1x16xf32>,
        %get3A_403 = vector.shape_cast %get3A_402 : vector<1x16xf32> to vector<16xf32>
        %add3A_404 = arith.addf %get3A_399, %get3A_403 : vector<16xf32>
        %max3A_405 = arith.constant 0.000000e+00 : f32
        %max3A_406 = vector.broadcast %max3A_405 : f32 to vector<16xf32>
        %max3A_407 = arith.maximumf %add3A_395, %max3A_406 : vector<16xf32>
        %add3A_408 = arith.addf %max3A_407, %add3A_404 : vector<16xf32>
        %max3A_409 = arith.constant 0.000000e+00 : f32
        %max3A_410 = vector.broadcast %max3A_409 : f32 to vector<16xf32>
        %max3A_411 = arith.maximumf %add3A_408, %max3A_410 : vector<16xf32>
        %swap3A_412 = arith.index_cast %scan3A_299 : i32 to index
        %swap3A_413 = arith.constant 48 : index
        %swap3A_414 = tpu.vector_load %arg13[%swap3A_412, %swap3A_413] {strides = array<i32>} : memref<80x64xf32, #tpu.memory_space<vmem>>, vector<1x16xf32>,
        %swap3A_415 = vector.shape_cast %swap3A_414 : vector<1x16xf32> to vector<16xf32>
        %swap3A_416 = vector.shape_cast %max3A_411 : vector<16xf32> to vector<1x16xf32>
        tpu.vector_store %arg13[%swap3A_412, %swap3A_413], %swap3A_416 {strides = array<i32>} : memref<80x64xf32, #tpu.memory_space<vmem>>, vector<1x16xf32>,
      }
      %scan3A_211 = arith.constant 80 : i32
      %add3A_212 = arith.constant 2 : i32
      %add3A_213 = arith.addi %mul3A_198, %add3A_212 : i32
      %mul3A_214 = arith.constant 80 : i32
      %mul3A_215 = arith.muli %add3A_213, %mul3A_214 : i32
      %dma_start3A_216 = tpu.memref_slice %arg7[%mul3A_215] : memref<10000xi32, #tpu.memory_space<vmem>> -> memref<80xi32, #tpu.memory_space<vmem>>
      %dma_start3A_217 = arith.constant 0 : i32
      %dma_start3A_218 = arith.constant 0 : i32
      %dma_start3A_219 = tpu.memref_slice %arg2[%dma_start3A_217, %dma_start3A_218] : memref<10000x128xf32, #tpu.memory_space<hbm>> -> memref<10000x128xf32, #tpu.memory_space<hbm>>
      tpu.enqueue_indirect_dma source(%dma_start3A_219 : memref<10000x128xf32, #tpu.memory_space<hbm>>) target(%arg9 : memref<80x128xf32, #tpu.memory_space<vmem>>) offsets(%dma_start3A_216 : memref<80xi32, #tpu.memory_space<vmem>>) semaphore(%arg15 : memref<!tpu.dma_semaphore, #tpu.memory_space<semaphore_mem>>)
      %mul3A_220 = arith.constant 80 : i32
      %mul3A_221 = arith.muli %add3A_213, %mul3A_220 : i32
      %dma_start3A_222 = tpu.memref_slice %arg8[%mul3A_221] : memref<10000xi32, #tpu.memory_space<vmem>> -> memref<80xi32, #tpu.memory_space<vmem>>
      %dma_start3A_223 = arith.constant 0 : i32
      %dma_start3A_224 = arith.constant 0 : i32
      %dma_start3A_225 = tpu.memref_slice %arg3[%dma_start3A_223, %dma_start3A_224] : memref<10000x128xf32, #tpu.memory_space<hbm>> -> memref<10000x128xf32, #tpu.memory_space<hbm>>
      tpu.enqueue_indirect_dma source(%dma_start3A_225 : memref<10000x128xf32, #tpu.memory_space<hbm>>) target(%arg11 : memref<80x128xf32, #tpu.memory_space<vmem>>) offsets(%dma_start3A_222 : memref<80xi32, #tpu.memory_space<vmem>>) semaphore(%arg17 : memref<!tpu.dma_semaphore, #tpu.memory_space<semaphore_mem>>)
      %mul3A_226 = arith.constant 80 : i32
      %mul3A_227 = arith.muli %mul3A_198, %mul3A_226 : i32
      %add3A_228 = arith.addi %mul3A_2, %mul3A_227 : i32
      %dma_start3A_229 = arith.constant 0 : i32
      %dma_start3A_230 = tpu.memref_slice %arg6[%add3A_228, %dma_start3A_229] : memref<320000x64xf32, #tpu.memory_space<hbm>> -> memref<80x64xf32, #tpu.memory_space<hbm>>
      %dma_start3A_231 = arith.constant 0 : i32
      %dma_start3A_232 = tpu.memref_slice %arg6[%add3A_228, %dma_start3A_231] : memref<320000x64xf32, #tpu.memory_space<hbm>> -> memref<80x64xf32, #tpu.memory_space<hbm>>
      tpu.enqueue_dma source(%arg13 : memref<80x64xf32, #tpu.memory_space<vmem>>) target(%dma_start3A_232 : memref<80x64xf32, #tpu.memory_space<hbm>>) target_semaphore(%arg19 : memref<!tpu.dma_semaphore, #tpu.memory_space<semaphore_mem>>)
      %add3A_233 = arith.constant 1 : i32
      %add3A_234 = arith.addi %mul3A_198, %add3A_233 : i32
      %mul3A_235 = arith.constant 80 : i32
      %mul3A_236 = arith.muli %add3A_234, %mul3A_235 : i32
      %dma_wait3A_237 = tpu.memref_slice %arg7[%mul3A_236] : memref<10000xi32, #tpu.memory_space<vmem>> -> memref<80xi32, #tpu.memory_space<vmem>>
      %dma_wait3A_238 = arith.constant 0 : i32
      %dma_wait3A_239 = arith.constant 0 : i32
      %dma_wait3A_240 = tpu.memref_slice %arg2[%dma_wait3A_238, %dma_wait3A_239] : memref<10000x128xf32, #tpu.memory_space<hbm>> -> memref<10000x128xf32, #tpu.memory_space<hbm>>
      tpu.wait_indirect_dma semaphore(%arg16 : memref<!tpu.dma_semaphore, #tpu.memory_space<semaphore_mem>>) src(%dma_wait3A_240 : memref<10000x128xf32, #tpu.memory_space<hbm>>) dst(%arg10 : memref<80x128xf32, #tpu.memory_space<vmem>>)
      %mul3A_241 = arith.constant 80 : i32
      %mul3A_242 = arith.muli %add3A_234, %mul3A_241 : i32
      %dma_wait3A_243 = tpu.memref_slice %arg8[%mul3A_242] : memref<10000xi32, #tpu.memory_space<vmem>> -> memref<80xi32, #tpu.memory_space<vmem>>
      %dma_wait3A_244 = arith.constant 0 : i32
      %dma_wait3A_245 = arith.constant 0 : i32
      %dma_wait3A_246 = tpu.memref_slice %arg3[%dma_wait3A_244, %dma_wait3A_245] : memref<10000x128xf32, #tpu.memory_space<hbm>> -> memref<10000x128xf32, #tpu.memory_space<hbm>>
      tpu.wait_indirect_dma semaphore(%arg18 : memref<!tpu.dma_semaphore, #tpu.memory_space<semaphore_mem>>) src(%dma_wait3A_246 : memref<10000x128xf32, #tpu.memory_space<hbm>>) dst(%arg12 : memref<80x128xf32, #tpu.memory_space<vmem>>)
      %mul3A_247 = arith.constant 2 : i32
      %mul3A_248 = arith.muli %mul3A_247, %scan3A_196 : i32
      %add3A_249 = arith.constant 1 : i32
      %add3A_250 = arith.addi %mul3A_248, %add3A_249 : i32
      %mul3A_251 = arith.constant 80 : i32
      %mul3A_252 = arith.muli %add3A_250, %mul3A_251 : i32
      %add3A_253 = arith.addi %mul3A_2, %mul3A_252 : i32
      %dma_wait3A_254 = arith.constant 0 : i32
      %dma_wait3A_255 = tpu.memref_slice %arg6[%add3A_253, %dma_wait3A_254] : memref<320000x64xf32, #tpu.memory_space<hbm>> -> memref<80x64xf32, #tpu.memory_space<hbm>>
      %dma_wait3A_256 = arith.constant 0 : i32
      %dma_wait3A_257 = tpu.memref_slice %arg6[%add3A_253, %dma_wait3A_256] : memref<320000x64xf32, #tpu.memory_space<hbm>> -> memref<80x64xf32, #tpu.memory_space<hbm>>
      tpu.wait_dma2 semaphore(%arg20 : memref<!tpu.dma_semaphore, #tpu.memory_space<semaphore_mem>>) src(%arg14 : memref<80x64xf32, #tpu.memory_space<vmem>>) dst(%dma_wait3A_257 : memref<80x64xf32, #tpu.memory_space<hbm>>)
      %scan3A_258 = arith.constant 0 : i32
      %scan3A_259 = arith.constant 0 : i32
      %scan3A_260 = arith.constant 80 : i32
      %scan3A_261 = arith.addi %scan3A_259, %scan3A_260 : i32
      %scan3A_262 = arith.constant 1 : i32
      scf.for %scan3A_299 = %scan3A_259 to %scan3A_261 step %scan3A_262  : i32 {
        %get3A = arith.index_cast %scan3A_299 : i32 to index
        %get3A_300 = arith.constant 0 : index
        %get3A_301 = tpu.vector_load %arg10[%get3A, %get3A_300] {strides = array<i32>} : memref<80x128xf32, #tpu.memory_space<vmem>>, vector<1x16xf32>,
        %get3A_302 = vector.shape_cast %get3A_301 : vector<1x16xf32> to vector<16xf32>
        %get3A_303 = arith.index_cast %scan3A_299 : i32 to index
        %get3A_304 = arith.constant 0 : index
        %get3A_305 = tpu.vector_load %arg12[%get3A_303, %get3A_304] {strides = array<i32>} : memref<80x128xf32, #tpu.memory_space<vmem>>, vector<1x16xf32>,
        %get3A_306 = vector.shape_cast %get3A_305 : vector<1x16xf32> to vector<16xf32>
        %add3A_307 = arith.addf %get3A_302, %get3A_306 : vector<16xf32>
        %get3A_308 = arith.index_cast %scan3A_299 : i32 to index
        %get3A_309 = arith.constant 64 : index
        %get3A_310 = tpu.vector_load %arg10[%get3A_308, %get3A_309] {strides = array<i32>} : memref<80x128xf32, #tpu.memory_space<vmem>>, vector<1x16xf32>,
        %get3A_311 = vector.shape_cast %get3A_310 : vector<1x16xf32> to vector<16xf32>
        %get3A_312 = arith.index_cast %scan3A_299 : i32 to index
        %get3A_313 = arith.constant 64 : index
        %get3A_314 = tpu.vector_load %arg12[%get3A_312, %get3A_313] {strides = array<i32>} : memref<80x128xf32, #tpu.memory_space<vmem>>, vector<1x16xf32>,
        %get3A_315 = vector.shape_cast %get3A_314 : vector<1x16xf32> to vector<16xf32>
        %add3A_316 = arith.addf %get3A_311, %get3A_315 : vector<16xf32>
        %max3A = arith.constant 0.000000e+00 : f32
        %max3A_317 = vector.broadcast %max3A : f32 to vector<16xf32>
        %max3A_318 = arith.maximumf %add3A_307, %max3A_317 : vector<16xf32>
        %add3A_319 = arith.addf %max3A_318, %add3A_316 : vector<16xf32>
        %max3A_320 = arith.constant 0.000000e+00 : f32
        %max3A_321 = vector.broadcast %max3A_320 : f32 to vector<16xf32>
        %max3A_322 = arith.maximumf %add3A_319, %max3A_321 : vector<16xf32>
        %swap3A = arith.index_cast %scan3A_299 : i32 to index
        %swap3A_323 = arith.constant 0 : index
        %swap3A_324 = tpu.vector_load %arg14[%swap3A, %swap3A_323] {strides = array<i32>} : memref<80x64xf32, #tpu.memory_space<vmem>>, vector<1x16xf32>,
        %swap3A_325 = vector.shape_cast %swap3A_324 : vector<1x16xf32> to vector<16xf32>
        %swap3A_326 = vector.shape_cast %max3A_322 : vector<16xf32> to vector<1x16xf32>
        tpu.vector_store %arg14[%swap3A, %swap3A_323], %swap3A_326 {strides = array<i32>} : memref<80x64xf32, #tpu.memory_space<vmem>>, vector<1x16xf32>,
        %get3A_327 = arith.index_cast %scan3A_299 : i32 to index
        %get3A_328 = arith.constant 16 : index
        %get3A_329 = tpu.vector_load %arg10[%get3A_327, %get3A_328] {strides = array<i32>} : memref<80x128xf32, #tpu.memory_space<vmem>>, vector<1x16xf32>,
        %get3A_330 = vector.shape_cast %get3A_329 : vector<1x16xf32> to vector<16xf32>
        %get3A_331 = arith.index_cast %scan3A_299 : i32 to index
        %get3A_332 = arith.constant 16 : index
        %get3A_333 = tpu.vector_load %arg12[%get3A_331, %get3A_332] {strides = array<i32>} : memref<80x128xf32, #tpu.memory_space<vmem>>, vector<1x16xf32>,
        %get3A_334 = vector.shape_cast %get3A_333 : vector<1x16xf32> to vector<16xf32>
        %add3A_335 = arith.addf %get3A_330, %get3A_334 : vector<16xf32>
        %get3A_336 = arith.index_cast %scan3A_299 : i32 to index
        %get3A_337 = arith.constant 80 : index
        %get3A_338 = tpu.vector_load %arg10[%get3A_336, %get3A_337] {strides = array<i32>} : memref<80x128xf32, #tpu.memory_space<vmem>>, vector<1x16xf32>,
        %get3A_339 = vector.shape_cast %get3A_338 : vector<1x16xf32> to vector<16xf32>
        %get3A_340 = arith.index_cast %scan3A_299 : i32 to index
        %get3A_341 = arith.constant 80 : index
        %get3A_342 = tpu.vector_load %arg12[%get3A_340, %get3A_341] {strides = array<i32>} : memref<80x128xf32, #tpu.memory_space<vmem>>, vector<1x16xf32>,
        %get3A_343 = vector.shape_cast %get3A_342 : vector<1x16xf32> to vector<16xf32>
        %add3A_344 = arith.addf %get3A_339, %get3A_343 : vector<16xf32>
        %max3A_345 = arith.constant 0.000000e+00 : f32
        %max3A_346 = vector.broadcast %max3A_345 : f32 to vector<16xf32>
        %max3A_347 = arith.maximumf %add3A_335, %max3A_346 : vector<16xf32>
        %add3A_348 = arith.addf %max3A_347, %add3A_344 : vector<16xf32>
        %max3A_349 = arith.constant 0.000000e+00 : f32
        %max3A_350 = vector.broadcast %max3A_349 : f32 to vector<16xf32>
        %max3A_351 = arith.maximumf %add3A_348, %max3A_350 : vector<16xf32>
        %swap3A_352 = arith.index_cast %scan3A_299 : i32 to index
        %swap3A_353 = arith.constant 16 : index
        %swap3A_354 = tpu.vector_load %arg14[%swap3A_352, %swap3A_353] {strides = array<i32>} : memref<80x64xf32, #tpu.memory_space<vmem>>, vector<1x16xf32>,
        %swap3A_355 = vector.shape_cast %swap3A_354 : vector<1x16xf32> to vector<16xf32>
        %swap3A_356 = vector.shape_cast %max3A_351 : vector<16xf32> to vector<1x16xf32>
        tpu.vector_store %arg14[%swap3A_352, %swap3A_353], %swap3A_356 {strides = array<i32>} : memref<80x64xf32, #tpu.memory_space<vmem>>, vector<1x16xf32>,
        %get3A_357 = arith.index_cast %scan3A_299 : i32 to index
        %get3A_358 = arith.constant 32 : index
        %get3A_359 = tpu.vector_load %arg10[%get3A_357, %get3A_358] {strides = array<i32>} : memref<80x128xf32, #tpu.memory_space<vmem>>, vector<1x16xf32>,
        %get3A_360 = vector.shape_cast %get3A_359 : vector<1x16xf32> to vector<16xf32>
        %get3A_361 = arith.index_cast %scan3A_299 : i32 to index
        %get3A_362 = arith.constant 32 : index
        %get3A_363 = tpu.vector_load %arg12[%get3A_361, %get3A_362] {strides = array<i32>} : memref<80x128xf32, #tpu.memory_space<vmem>>, vector<1x16xf32>,
        %get3A_364 = vector.shape_cast %get3A_363 : vector<1x16xf32> to vector<16xf32>
        %add3A_365 = arith.addf %get3A_360, %get3A_364 : vector<16xf32>
        %get3A_366 = arith.index_cast %scan3A_299 : i32 to index
        %get3A_367 = arith.constant 96 : index
        %get3A_368 = tpu.vector_load %arg10[%get3A_366, %get3A_367] {strides = array<i32>} : memref<80x128xf32, #tpu.memory_space<vmem>>, vector<1x16xf32>,
        %get3A_369 = vector.shape_cast %get3A_368 : vector<1x16xf32> to vector<16xf32>
        %get3A_370 = arith.index_cast %scan3A_299 : i32 to index
        %get3A_371 = arith.constant 96 : index
        %get3A_372 = tpu.vector_load %arg12[%get3A_370, %get3A_371] {strides = array<i32>} : memref<80x128xf32, #tpu.memory_space<vmem>>, vector<1x16xf32>,
        %get3A_373 = vector.shape_cast %get3A_372 : vector<1x16xf32> to vector<16xf32>
        %add3A_374 = arith.addf %get3A_369, %get3A_373 : vector<16xf32>
        %max3A_375 = arith.constant 0.000000e+00 : f32
        %max3A_376 = vector.broadcast %max3A_375 : f32 to vector<16xf32>
        %max3A_377 = arith.maximumf %add3A_365, %max3A_376 : vector<16xf32>
        %add3A_378 = arith.addf %max3A_377, %add3A_374 : vector<16xf32>
        %max3A_379 = arith.constant 0.000000e+00 : f32
        %max3A_380 = vector.broadcast %max3A_379 : f32 to vector<16xf32>
        %max3A_381 = arith.maximumf %add3A_378, %max3A_380 : vector<16xf32>
        %swap3A_382 = arith.index_cast %scan3A_299 : i32 to index
        %swap3A_383 = arith.constant 32 : index
        %swap3A_384 = tpu.vector_load %arg14[%swap3A_382, %swap3A_383] {strides = array<i32>} : memref<80x64xf32, #tpu.memory_space<vmem>>, vector<1x16xf32>,
        %swap3A_385 = vector.shape_cast %swap3A_384 : vector<1x16xf32> to vector<16xf32>
        %swap3A_386 = vector.shape_cast %max3A_381 : vector<16xf32> to vector<1x16xf32>
        tpu.vector_store %arg14[%swap3A_382, %swap3A_383], %swap3A_386 {strides = array<i32>} : memref<80x64xf32, #tpu.memory_space<vmem>>, vector<1x16xf32>,
        %get3A_387 = arith.index_cast %scan3A_299 : i32 to index
        %get3A_388 = arith.constant 48 : index
        %get3A_389 = tpu.vector_load %arg10[%get3A_387, %get3A_388] {strides = array<i32>} : memref<80x128xf32, #tpu.memory_space<vmem>>, vector<1x16xf32>,
        %get3A_390 = vector.shape_cast %get3A_389 : vector<1x16xf32> to vector<16xf32>
        %get3A_391 = arith.index_cast %scan3A_299 : i32 to index
        %get3A_392 = arith.constant 48 : index
        %get3A_393 = tpu.vector_load %arg12[%get3A_391, %get3A_392] {strides = array<i32>} : memref<80x128xf32, #tpu.memory_space<vmem>>, vector<1x16xf32>,
        %get3A_394 = vector.shape_cast %get3A_393 : vector<1x16xf32> to vector<16xf32>
        %add3A_395 = arith.addf %get3A_390, %get3A_394 : vector<16xf32>
        %get3A_396 = arith.index_cast %scan3A_299 : i32 to index
        %get3A_397 = arith.constant 112 : index
        %get3A_398 = tpu.vector_load %arg10[%get3A_396, %get3A_397] {strides = array<i32>} : memref<80x128xf32, #tpu.memory_space<vmem>>, vector<1x16xf32>,
        %get3A_399 = vector.shape_cast %get3A_398 : vector<1x16xf32> to vector<16xf32>
        %get3A_400 = arith.index_cast %scan3A_299 : i32 to index
        %get3A_401 = arith.constant 112 : index
        %get3A_402 = tpu.vector_load %arg12[%get3A_400, %get3A_401] {strides = array<i32>} : memref<80x128xf32, #tpu.memory_space<vmem>>, vector<1x16xf32>,
        %get3A_403 = vector.shape_cast %get3A_402 : vector<1x16xf32> to vector<16xf32>
        %add3A_404 = arith.addf %get3A_399, %get3A_403 : vector<16xf32>
        %max3A_405 = arith.constant 0.000000e+00 : f32
        %max3A_406 = vector.broadcast %max3A_405 : f32 to vector<16xf32>
        %max3A_407 = arith.maximumf %add3A_395, %max3A_406 : vector<16xf32>
        %add3A_408 = arith.addf %max3A_407, %add3A_404 : vector<16xf32>
        %max3A_409 = arith.constant 0.000000e+00 : f32
        %max3A_410 = vector.broadcast %max3A_409 : f32 to vector<16xf32>
        %max3A_411 = arith.maximumf %add3A_408, %max3A_410 : vector<16xf32>
        %swap3A_412 = arith.index_cast %scan3A_299 : i32 to index
        %swap3A_413 = arith.constant 48 : index
        %swap3A_414 = tpu.vector_load %arg14[%swap3A_412, %swap3A_413] {strides = array<i32>} : memref<80x64xf32, #tpu.memory_space<vmem>>, vector<1x16xf32>,
        %swap3A_415 = vector.shape_cast %swap3A_414 : vector<1x16xf32> to vector<16xf32>
        %swap3A_416 = vector.shape_cast %max3A_411 : vector<16xf32> to vector<1x16xf32>
        tpu.vector_store %arg14[%swap3A_412, %swap3A_413], %swap3A_416 {strides = array<i32>} : memref<80x64xf32, #tpu.memory_space<vmem>>, vector<1x16xf32>,
      }
      %scan3A_263 = arith.constant 80 : i32
      %add3A_264 = arith.constant 2 : i32
      %add3A_265 = arith.addi %add3A_250, %add3A_264 : i32
      %mul3A_266 = arith.constant 80 : i32
      %mul3A_267 = arith.muli %add3A_265, %mul3A_266 : i32
      %dma_start3A_268 = tpu.memref_slice %arg7[%mul3A_267] : memref<10000xi32, #tpu.memory_space<vmem>> -> memref<80xi32, #tpu.memory_space<vmem>>
      %dma_start3A_269 = arith.constant 0 : i32
      %dma_start3A_270 = arith.constant 0 : i32
      %dma_start3A_271 = tpu.memref_slice %arg2[%dma_start3A_269, %dma_start3A_270] : memref<10000x128xf32, #tpu.memory_space<hbm>> -> memref<10000x128xf32, #tpu.memory_space<hbm>>
      tpu.enqueue_indirect_dma source(%dma_start3A_271 : memref<10000x128xf32, #tpu.memory_space<hbm>>) target(%arg10 : memref<80x128xf32, #tpu.memory_space<vmem>>) offsets(%dma_start3A_268 : memref<80xi32, #tpu.memory_space<vmem>>) semaphore(%arg16 : memref<!tpu.dma_semaphore, #tpu.memory_space<semaphore_mem>>)
      %mul3A_272 = arith.constant 80 : i32
      %mul3A_273 = arith.muli %add3A_265, %mul3A_272 : i32
      %dma_start3A_274 = tpu.memref_slice %arg8[%mul3A_273] : memref<10000xi32, #tpu.memory_space<vmem>> -> memref<80xi32, #tpu.memory_space<vmem>>
      %dma_start3A_275 = arith.constant 0 : i32
      %dma_start3A_276 = arith.constant 0 : i32
      %dma_start3A_277 = tpu.memref_slice %arg3[%dma_start3A_275, %dma_start3A_276] : memref<10000x128xf32, #tpu.memory_space<hbm>> -> memref<10000x128xf32, #tpu.memory_space<hbm>>
      tpu.enqueue_indirect_dma source(%dma_start3A_277 : memref<10000x128xf32, #tpu.memory_space<hbm>>) target(%arg12 : memref<80x128xf32, #tpu.memory_space<vmem>>) offsets(%dma_start3A_274 : memref<80xi32, #tpu.memory_space<vmem>>) semaphore(%arg18 : memref<!tpu.dma_semaphore, #tpu.memory_space<semaphore_mem>>)
      %mul3A_278 = arith.constant 80 : i32
      %mul3A_279 = arith.muli %add3A_250, %mul3A_278 : i32
      %add3A_280 = arith.addi %mul3A_2, %mul3A_279 : i32
      %dma_start3A_281 = arith.constant 0 : i32
      %dma_start3A_282 = tpu.memref_slice %arg6[%add3A_280, %dma_start3A_281] : memref<320000x64xf32, #tpu.memory_space<hbm>> -> memref<80x64xf32, #tpu.memory_space<hbm>>
      %dma_start3A_283 = arith.constant 0 : i32
      %dma_start3A_284 = tpu.memref_slice %arg6[%add3A_280, %dma_start3A_283] : memref<320000x64xf32, #tpu.memory_space<hbm>> -> memref<80x64xf32, #tpu.memory_space<hbm>>
      tpu.enqueue_dma source(%arg14 : memref<80x64xf32, #tpu.memory_space<vmem>>) target(%dma_start3A_284 : memref<80x64xf32, #tpu.memory_space<hbm>>) target_semaphore(%arg20 : memref<!tpu.dma_semaphore, #tpu.memory_space<semaphore_mem>>)
      %add3A_285 = arith.constant 1 : i32
      %add3A_286 = arith.addi %add3A_250, %add3A_285 : i32
      %mul3A_287 = arith.constant 80 : i32
      %mul3A_288 = arith.muli %add3A_286, %mul3A_287 : i32
      %dma_wait3A_289 = tpu.memref_slice %arg7[%mul3A_288] : memref<10000xi32, #tpu.memory_space<vmem>> -> memref<80xi32, #tpu.memory_space<vmem>>
      %dma_wait3A_290 = arith.constant 0 : i32
      %dma_wait3A_291 = arith.constant 0 : i32
      %dma_wait3A_292 = tpu.memref_slice %arg2[%dma_wait3A_290, %dma_wait3A_291] : memref<10000x128xf32, #tpu.memory_space<hbm>> -> memref<10000x128xf32, #tpu.memory_space<hbm>>
      tpu.wait_indirect_dma semaphore(%arg15 : memref<!tpu.dma_semaphore, #tpu.memory_space<semaphore_mem>>) src(%dma_wait3A_292 : memref<10000x128xf32, #tpu.memory_space<hbm>>) dst(%arg9 : memref<80x128xf32, #tpu.memory_space<vmem>>)
      %mul3A_293 = arith.constant 80 : i32
      %mul3A_294 = arith.muli %add3A_286, %mul3A_293 : i32
      %dma_wait3A_295 = tpu.memref_slice %arg8[%mul3A_294] : memref<10000xi32, #tpu.memory_space<vmem>> -> memref<80xi32, #tpu.memory_space<vmem>>
      %dma_wait3A_296 = arith.constant 0 : i32
      %dma_wait3A_297 = arith.constant 0 : i32
      %dma_wait3A_298 = tpu.memref_slice %arg3[%dma_wait3A_296, %dma_wait3A_297] : memref<10000x128xf32, #tpu.memory_space<hbm>> -> memref<10000x128xf32, #tpu.memory_space<hbm>>
      tpu.wait_indirect_dma semaphore(%arg17 : memref<!tpu.dma_semaphore, #tpu.memory_space<semaphore_mem>>) src(%dma_wait3A_298 : memref<10000x128xf32, #tpu.memory_space<hbm>>) dst(%arg11 : memref<80x128xf32, #tpu.memory_space<vmem>>)
    }
    %scan3A_99 = arith.constant 60 : i32
    %add3A_100 = arith.constant 9760 : i32
    %add3A_101 = arith.addi %mul3A_2, %add3A_100 : i32
    %dma_wait3A_102 = arith.constant 0 : i32
    %dma_wait3A_103 = tpu.memref_slice %arg6[%add3A_101, %dma_wait3A_102] : memref<320000x64xf32, #tpu.memory_space<hbm>> -> memref<80x64xf32, #tpu.memory_space<hbm>>
    %dma_wait3A_104 = arith.constant 0 : i32
    %dma_wait3A_105 = tpu.memref_slice %arg6[%add3A_101, %dma_wait3A_104] : memref<320000x64xf32, #tpu.memory_space<hbm>> -> memref<80x64xf32, #tpu.memory_space<hbm>>
    tpu.wait_dma2 semaphore(%arg19 : memref<!tpu.dma_semaphore, #tpu.memory_space<semaphore_mem>>) src(%arg13 : memref<80x64xf32, #tpu.memory_space<vmem>>) dst(%dma_wait3A_105 : memref<80x64xf32, #tpu.memory_space<hbm>>)
    %scan3A_106 = arith.constant 0 : i32
    %scan3A_107 = arith.constant 0 : i32
    %scan3A_108 = arith.constant 80 : i32
    %scan3A_109 = arith.addi %scan3A_107, %scan3A_108 : i32
    %scan3A_110 = arith.constant 1 : i32
    scf.for %scan3A_196 = %scan3A_107 to %scan3A_109 step %scan3A_110  : i32 {
      %get3A = arith.index_cast %scan3A_196 : i32 to index
      %get3A_197 = arith.constant 0 : index
      %get3A_198 = tpu.vector_load %arg9[%get3A, %get3A_197] {strides = array<i32>} : memref<80x128xf32, #tpu.memory_space<vmem>>, vector<1x16xf32>,
      %get3A_199 = vector.shape_cast %get3A_198 : vector<1x16xf32> to vector<16xf32>
      %get3A_200 = arith.index_cast %scan3A_196 : i32 to index
      %get3A_201 = arith.constant 0 : index
      %get3A_202 = tpu.vector_load %arg11[%get3A_200, %get3A_201] {strides = array<i32>} : memref<80x128xf32, #tpu.memory_space<vmem>>, vector<1x16xf32>,
      %get3A_203 = vector.shape_cast %get3A_202 : vector<1x16xf32> to vector<16xf32>
      %add3A_204 = arith.addf %get3A_199, %get3A_203 : vector<16xf32>
      %get3A_205 = arith.index_cast %scan3A_196 : i32 to index
      %get3A_206 = arith.constant 64 : index
      %get3A_207 = tpu.vector_load %arg9[%get3A_205, %get3A_206] {strides = array<i32>} : memref<80x128xf32, #tpu.memory_space<vmem>>, vector<1x16xf32>,
      %get3A_208 = vector.shape_cast %get3A_207 : vector<1x16xf32> to vector<16xf32>
      %get3A_209 = arith.index_cast %scan3A_196 : i32 to index
      %get3A_210 = arith.constant 64 : index
      %get3A_211 = tpu.vector_load %arg11[%get3A_209, %get3A_210] {strides = array<i32>} : memref<80x128xf32, #tpu.memory_space<vmem>>, vector<1x16xf32>,
      %get3A_212 = vector.shape_cast %get3A_211 : vector<1x16xf32> to vector<16xf32>
      %add3A_213 = arith.addf %get3A_208, %get3A_212 : vector<16xf32>
      %max3A = arith.constant 0.000000e+00 : f32
      %max3A_214 = vector.broadcast %max3A : f32 to vector<16xf32>
      %max3A_215 = arith.maximumf %add3A_204, %max3A_214 : vector<16xf32>
      %add3A_216 = arith.addf %max3A_215, %add3A_213 : vector<16xf32>
      %max3A_217 = arith.constant 0.000000e+00 : f32
      %max3A_218 = vector.broadcast %max3A_217 : f32 to vector<16xf32>
      %max3A_219 = arith.maximumf %add3A_216, %max3A_218 : vector<16xf32>
      %swap3A = arith.index_cast %scan3A_196 : i32 to index
      %swap3A_220 = arith.constant 0 : index
      %swap3A_221 = tpu.vector_load %arg13[%swap3A, %swap3A_220] {strides = array<i32>} : memref<80x64xf32, #tpu.memory_space<vmem>>, vector<1x16xf32>,
      %swap3A_222 = vector.shape_cast %swap3A_221 : vector<1x16xf32> to vector<16xf32>
      %swap3A_223 = vector.shape_cast %max3A_219 : vector<16xf32> to vector<1x16xf32>
      tpu.vector_store %arg13[%swap3A, %swap3A_220], %swap3A_223 {strides = array<i32>} : memref<80x64xf32, #tpu.memory_space<vmem>>, vector<1x16xf32>,
      %get3A_224 = arith.index_cast %scan3A_196 : i32 to index
      %get3A_225 = arith.constant 16 : index
      %get3A_226 = tpu.vector_load %arg9[%get3A_224, %get3A_225] {strides = array<i32>} : memref<80x128xf32, #tpu.memory_space<vmem>>, vector<1x16xf32>,
      %get3A_227 = vector.shape_cast %get3A_226 : vector<1x16xf32> to vector<16xf32>
      %get3A_228 = arith.index_cast %scan3A_196 : i32 to index
      %get3A_229 = arith.constant 16 : index
      %get3A_230 = tpu.vector_load %arg11[%get3A_228, %get3A_229] {strides = array<i32>} : memref<80x128xf32, #tpu.memory_space<vmem>>, vector<1x16xf32>,
      %get3A_231 = vector.shape_cast %get3A_230 : vector<1x16xf32> to vector<16xf32>
      %add3A_232 = arith.addf %get3A_227, %get3A_231 : vector<16xf32>
      %get3A_233 = arith.index_cast %scan3A_196 : i32 to index
      %get3A_234 = arith.constant 80 : index
      %get3A_235 = tpu.vector_load %arg9[%get3A_233, %get3A_234] {strides = array<i32>} : memref<80x128xf32, #tpu.memory_space<vmem>>, vector<1x16xf32>,
      %get3A_236 = vector.shape_cast %get3A_235 : vector<1x16xf32> to vector<16xf32>
      %get3A_237 = arith.index_cast %scan3A_196 : i32 to index
      %get3A_238 = arith.constant 80 : index
      %get3A_239 = tpu.vector_load %arg11[%get3A_237, %get3A_238] {strides = array<i32>} : memref<80x128xf32, #tpu.memory_space<vmem>>, vector<1x16xf32>,
      %get3A_240 = vector.shape_cast %get3A_239 : vector<1x16xf32> to vector<16xf32>
      %add3A_241 = arith.addf %get3A_236, %get3A_240 : vector<16xf32>
      %max3A_242 = arith.constant 0.000000e+00 : f32
      %max3A_243 = vector.broadcast %max3A_242 : f32 to vector<16xf32>
      %max3A_244 = arith.maximumf %add3A_232, %max3A_243 : vector<16xf32>
      %add3A_245 = arith.addf %max3A_244, %add3A_241 : vector<16xf32>
      %max3A_246 = arith.constant 0.000000e+00 : f32
      %max3A_247 = vector.broadcast %max3A_246 : f32 to vector<16xf32>
      %max3A_248 = arith.maximumf %add3A_245, %max3A_247 : vector<16xf32>
      %swap3A_249 = arith.index_cast %scan3A_196 : i32 to index
      %swap3A_250 = arith.constant 16 : index
      %swap3A_251 = tpu.vector_load %arg13[%swap3A_249, %swap3A_250] {strides = array<i32>} : memref<80x64xf32, #tpu.memory_space<vmem>>, vector<1x16xf32>,
      %swap3A_252 = vector.shape_cast %swap3A_251 : vector<1x16xf32> to vector<16xf32>
      %swap3A_253 = vector.shape_cast %max3A_248 : vector<16xf32> to vector<1x16xf32>
      tpu.vector_store %arg13[%swap3A_249, %swap3A_250], %swap3A_253 {strides = array<i32>} : memref<80x64xf32, #tpu.memory_space<vmem>>, vector<1x16xf32>,
      %get3A_254 = arith.index_cast %scan3A_196 : i32 to index
      %get3A_255 = arith.constant 32 : index
      %get3A_256 = tpu.vector_load %arg9[%get3A_254, %get3A_255] {strides = array<i32>} : memref<80x128xf32, #tpu.memory_space<vmem>>, vector<1x16xf32>,
      %get3A_257 = vector.shape_cast %get3A_256 : vector<1x16xf32> to vector<16xf32>
      %get3A_258 = arith.index_cast %scan3A_196 : i32 to index
      %get3A_259 = arith.constant 32 : index
      %get3A_260 = tpu.vector_load %arg11[%get3A_258, %get3A_259] {strides = array<i32>} : memref<80x128xf32, #tpu.memory_space<vmem>>, vector<1x16xf32>,
      %get3A_261 = vector.shape_cast %get3A_260 : vector<1x16xf32> to vector<16xf32>
      %add3A_262 = arith.addf %get3A_257, %get3A_261 : vector<16xf32>
      %get3A_263 = arith.index_cast %scan3A_196 : i32 to index
      %get3A_264 = arith.constant 96 : index
      %get3A_265 = tpu.vector_load %arg9[%get3A_263, %get3A_264] {strides = array<i32>} : memref<80x128xf32, #tpu.memory_space<vmem>>, vector<1x16xf32>,
      %get3A_266 = vector.shape_cast %get3A_265 : vector<1x16xf32> to vector<16xf32>
      %get3A_267 = arith.index_cast %scan3A_196 : i32 to index
      %get3A_268 = arith.constant 96 : index
      %get3A_269 = tpu.vector_load %arg11[%get3A_267, %get3A_268] {strides = array<i32>} : memref<80x128xf32, #tpu.memory_space<vmem>>, vector<1x16xf32>,
      %get3A_270 = vector.shape_cast %get3A_269 : vector<1x16xf32> to vector<16xf32>
      %add3A_271 = arith.addf %get3A_266, %get3A_270 : vector<16xf32>
      %max3A_272 = arith.constant 0.000000e+00 : f32
      %max3A_273 = vector.broadcast %max3A_272 : f32 to vector<16xf32>
      %max3A_274 = arith.maximumf %add3A_262, %max3A_273 : vector<16xf32>
      %add3A_275 = arith.addf %max3A_274, %add3A_271 : vector<16xf32>
      %max3A_276 = arith.constant 0.000000e+00 : f32
      %max3A_277 = vector.broadcast %max3A_276 : f32 to vector<16xf32>
      %max3A_278 = arith.maximumf %add3A_275, %max3A_277 : vector<16xf32>
      %swap3A_279 = arith.index_cast %scan3A_196 : i32 to index
      %swap3A_280 = arith.constant 32 : index
      %swap3A_281 = tpu.vector_load %arg13[%swap3A_279, %swap3A_280] {strides = array<i32>} : memref<80x64xf32, #tpu.memory_space<vmem>>, vector<1x16xf32>,
      %swap3A_282 = vector.shape_cast %swap3A_281 : vector<1x16xf32> to vector<16xf32>
      %swap3A_283 = vector.shape_cast %max3A_278 : vector<16xf32> to vector<1x16xf32>
      tpu.vector_store %arg13[%swap3A_279, %swap3A_280], %swap3A_283 {strides = array<i32>} : memref<80x64xf32, #tpu.memory_space<vmem>>, vector<1x16xf32>,
      %get3A_284 = arith.index_cast %scan3A_196 : i32 to index
      %get3A_285 = arith.constant 48 : index
      %get3A_286 = tpu.vector_load %arg9[%get3A_284, %get3A_285] {strides = array<i32>} : memref<80x128xf32, #tpu.memory_space<vmem>>, vector<1x16xf32>,
      %get3A_287 = vector.shape_cast %get3A_286 : vector<1x16xf32> to vector<16xf32>
      %get3A_288 = arith.index_cast %scan3A_196 : i32 to index
      %get3A_289 = arith.constant 48 : index
      %get3A_290 = tpu.vector_load %arg11[%get3A_288, %get3A_289] {strides = array<i32>} : memref<80x128xf32, #tpu.memory_space<vmem>>, vector<1x16xf32>,
      %get3A_291 = vector.shape_cast %get3A_290 : vector<1x16xf32> to vector<16xf32>
      %add3A_292 = arith.addf %get3A_287, %get3A_291 : vector<16xf32>
      %get3A_293 = arith.index_cast %scan3A_196 : i32 to index
      %get3A_294 = arith.constant 112 : index
      %get3A_295 = tpu.vector_load %arg9[%get3A_293, %get3A_294] {strides = array<i32>} : memref<80x128xf32, #tpu.memory_space<vmem>>, vector<1x16xf32>,
      %get3A_296 = vector.shape_cast %get3A_295 : vector<1x16xf32> to vector<16xf32>
      %get3A_297 = arith.index_cast %scan3A_196 : i32 to index
      %get3A_298 = arith.constant 112 : index
      %get3A_299 = tpu.vector_load %arg11[%get3A_297, %get3A_298] {strides = array<i32>} : memref<80x128xf32, #tpu.memory_space<vmem>>, vector<1x16xf32>,
      %get3A_300 = vector.shape_cast %get3A_299 : vector<1x16xf32> to vector<16xf32>
      %add3A_301 = arith.addf %get3A_296, %get3A_300 : vector<16xf32>
      %max3A_302 = arith.constant 0.000000e+00 : f32
      %max3A_303 = vector.broadcast %max3A_302 : f32 to vector<16xf32>
      %max3A_304 = arith.maximumf %add3A_292, %max3A_303 : vector<16xf32>
      %add3A_305 = arith.addf %max3A_304, %add3A_301 : vector<16xf32>
      %max3A_306 = arith.constant 0.000000e+00 : f32
      %max3A_307 = vector.broadcast %max3A_306 : f32 to vector<16xf32>
      %max3A_308 = arith.maximumf %add3A_305, %max3A_307 : vector<16xf32>
      %swap3A_309 = arith.index_cast %scan3A_196 : i32 to index
      %swap3A_310 = arith.constant 48 : index
      %swap3A_311 = tpu.vector_load %arg13[%swap3A_309, %swap3A_310] {strides = array<i32>} : memref<80x64xf32, #tpu.memory_space<vmem>>, vector<1x16xf32>,
      %swap3A_312 = vector.shape_cast %swap3A_311 : vector<1x16xf32> to vector<16xf32>
      %swap3A_313 = vector.shape_cast %max3A_308 : vector<16xf32> to vector<1x16xf32>
      tpu.vector_store %arg13[%swap3A_309, %swap3A_310], %swap3A_313 {strides = array<i32>} : memref<80x64xf32, #tpu.memory_space<vmem>>, vector<1x16xf32>,
    }
    %scan3A_111 = arith.constant 80 : i32
    %dma_start3A_112 = arith.constant 9920 : i32
    %dma_start3A_113 = tpu.memref_slice %arg7[%dma_start3A_112] : memref<10000xi32, #tpu.memory_space<vmem>> -> memref<80xi32, #tpu.memory_space<vmem>>
    %dma_start3A_114 = arith.constant 0 : i32
    %dma_start3A_115 = arith.constant 0 : i32
    %dma_start3A_116 = tpu.memref_slice %arg2[%dma_start3A_114, %dma_start3A_115] : memref<10000x128xf32, #tpu.memory_space<hbm>> -> memref<10000x128xf32, #tpu.memory_space<hbm>>
    tpu.enqueue_indirect_dma source(%dma_start3A_116 : memref<10000x128xf32, #tpu.memory_space<hbm>>) target(%arg9 : memref<80x128xf32, #tpu.memory_space<vmem>>) offsets(%dma_start3A_113 : memref<80xi32, #tpu.memory_space<vmem>>) semaphore(%arg15 : memref<!tpu.dma_semaphore, #tpu.memory_space<semaphore_mem>>)
    %dma_start3A_117 = arith.constant 9920 : i32
    %dma_start3A_118 = tpu.memref_slice %arg8[%dma_start3A_117] : memref<10000xi32, #tpu.memory_space<vmem>> -> memref<80xi32, #tpu.memory_space<vmem>>
    %dma_start3A_119 = arith.constant 0 : i32
    %dma_start3A_120 = arith.constant 0 : i32
    %dma_start3A_121 = tpu.memref_slice %arg3[%dma_start3A_119, %dma_start3A_120] : memref<10000x128xf32, #tpu.memory_space<hbm>> -> memref<10000x128xf32, #tpu.memory_space<hbm>>
    tpu.enqueue_indirect_dma source(%dma_start3A_121 : memref<10000x128xf32, #tpu.memory_space<hbm>>) target(%arg11 : memref<80x128xf32, #tpu.memory_space<vmem>>) offsets(%dma_start3A_118 : memref<80xi32, #tpu.memory_space<vmem>>) semaphore(%arg17 : memref<!tpu.dma_semaphore, #tpu.memory_space<semaphore_mem>>)
    %add3A_122 = arith.constant 9760 : i32
    %add3A_123 = arith.addi %mul3A_2, %add3A_122 : i32
    %dma_start3A_124 = arith.constant 0 : i32
    %dma_start3A_125 = tpu.memref_slice %arg6[%add3A_123, %dma_start3A_124] : memref<320000x64xf32, #tpu.memory_space<hbm>> -> memref<80x64xf32, #tpu.memory_space<hbm>>
    %dma_start3A_126 = arith.constant 0 : i32
    %dma_start3A_127 = tpu.memref_slice %arg6[%add3A_123, %dma_start3A_126] : memref<320000x64xf32, #tpu.memory_space<hbm>> -> memref<80x64xf32, #tpu.memory_space<hbm>>
    tpu.enqueue_dma source(%arg13 : memref<80x64xf32, #tpu.memory_space<vmem>>) target(%dma_start3A_127 : memref<80x64xf32, #tpu.memory_space<hbm>>) target_semaphore(%arg19 : memref<!tpu.dma_semaphore, #tpu.memory_space<semaphore_mem>>)
    %dma_wait3A_128 = arith.constant 9840 : i32
    %dma_wait3A_129 = tpu.memref_slice %arg7[%dma_wait3A_128] : memref<10000xi32, #tpu.memory_space<vmem>> -> memref<80xi32, #tpu.memory_space<vmem>>
    %dma_wait3A_130 = arith.constant 0 : i32
    %dma_wait3A_131 = arith.constant 0 : i32
    %dma_wait3A_132 = tpu.memref_slice %arg2[%dma_wait3A_130, %dma_wait3A_131] : memref<10000x128xf32, #tpu.memory_space<hbm>> -> memref<10000x128xf32, #tpu.memory_space<hbm>>
    tpu.wait_indirect_dma semaphore(%arg16 : memref<!tpu.dma_semaphore, #tpu.memory_space<semaphore_mem>>) src(%dma_wait3A_132 : memref<10000x128xf32, #tpu.memory_space<hbm>>) dst(%arg10 : memref<80x128xf32, #tpu.memory_space<vmem>>)
    %dma_wait3A_133 = arith.constant 9840 : i32
    %dma_wait3A_134 = tpu.memref_slice %arg8[%dma_wait3A_133] : memref<10000xi32, #tpu.memory_space<vmem>> -> memref<80xi32, #tpu.memory_space<vmem>>
    %dma_wait3A_135 = arith.constant 0 : i32
    %dma_wait3A_136 = arith.constant 0 : i32
    %dma_wait3A_137 = tpu.memref_slice %arg3[%dma_wait3A_135, %dma_wait3A_136] : memref<10000x128xf32, #tpu.memory_space<hbm>> -> memref<10000x128xf32, #tpu.memory_space<hbm>>
    tpu.wait_indirect_dma semaphore(%arg18 : memref<!tpu.dma_semaphore, #tpu.memory_space<semaphore_mem>>) src(%dma_wait3A_137 : memref<10000x128xf32, #tpu.memory_space<hbm>>) dst(%arg12 : memref<80x128xf32, #tpu.memory_space<vmem>>)
    %add3A_138 = arith.constant 9840 : i32
    %add3A_139 = arith.addi %mul3A_2, %add3A_138 : i32
    %dma_wait3A_140 = arith.constant 0 : i32
    %dma_wait3A_141 = tpu.memref_slice %arg6[%add3A_139, %dma_wait3A_140] : memref<320000x64xf32, #tpu.memory_space<hbm>> -> memref<80x64xf32, #tpu.memory_space<hbm>>
    %dma_wait3A_142 = arith.constant 0 : i32
    %dma_wait3A_143 = tpu.memref_slice %arg6[%add3A_139, %dma_wait3A_142] : memref<320000x64xf32, #tpu.memory_space<hbm>> -> memref<80x64xf32, #tpu.memory_space<hbm>>
    tpu.wait_dma2 semaphore(%arg20 : memref<!tpu.dma_semaphore, #tpu.memory_space<semaphore_mem>>) src(%arg14 : memref<80x64xf32, #tpu.memory_space<vmem>>) dst(%dma_wait3A_143 : memref<80x64xf32, #tpu.memory_space<hbm>>)
    %scan3A_144 = arith.constant 0 : i32
    %scan3A_145 = arith.constant 0 : i32
    %scan3A_146 = arith.constant 80 : i32
    %scan3A_147 = arith.addi %scan3A_145, %scan3A_146 : i32
    %scan3A_148 = arith.constant 1 : i32
    scf.for %scan3A_196 = %scan3A_145 to %scan3A_147 step %scan3A_148  : i32 {
      %get3A = arith.index_cast %scan3A_196 : i32 to index
      %get3A_197 = arith.constant 0 : index
      %get3A_198 = tpu.vector_load %arg10[%get3A, %get3A_197] {strides = array<i32>} : memref<80x128xf32, #tpu.memory_space<vmem>>, vector<1x16xf32>,
      %get3A_199 = vector.shape_cast %get3A_198 : vector<1x16xf32> to vector<16xf32>
      %get3A_200 = arith.index_cast %scan3A_196 : i32 to index
      %get3A_201 = arith.constant 0 : index
      %get3A_202 = tpu.vector_load %arg12[%get3A_200, %get3A_201] {strides = array<i32>} : memref<80x128xf32, #tpu.memory_space<vmem>>, vector<1x16xf32>,
      %get3A_203 = vector.shape_cast %get3A_202 : vector<1x16xf32> to vector<16xf32>
      %add3A_204 = arith.addf %get3A_199, %get3A_203 : vector<16xf32>
      %get3A_205 = arith.index_cast %scan3A_196 : i32 to index
      %get3A_206 = arith.constant 64 : index
      %get3A_207 = tpu.vector_load %arg10[%get3A_205, %get3A_206] {strides = array<i32>} : memref<80x128xf32, #tpu.memory_space<vmem>>, vector<1x16xf32>,
      %get3A_208 = vector.shape_cast %get3A_207 : vector<1x16xf32> to vector<16xf32>
      %get3A_209 = arith.index_cast %scan3A_196 : i32 to index
      %get3A_210 = arith.constant 64 : index
      %get3A_211 = tpu.vector_load %arg12[%get3A_209, %get3A_210] {strides = array<i32>} : memref<80x128xf32, #tpu.memory_space<vmem>>, vector<1x16xf32>,
      %get3A_212 = vector.shape_cast %get3A_211 : vector<1x16xf32> to vector<16xf32>
      %add3A_213 = arith.addf %get3A_208, %get3A_212 : vector<16xf32>
      %max3A = arith.constant 0.000000e+00 : f32
      %max3A_214 = vector.broadcast %max3A : f32 to vector<16xf32>
      %max3A_215 = arith.maximumf %add3A_204, %max3A_214 : vector<16xf32>
      %add3A_216 = arith.addf %max3A_215, %add3A_213 : vector<16xf32>
      %max3A_217 = arith.constant 0.000000e+00 : f32
      %max3A_218 = vector.broadcast %max3A_217 : f32 to vector<16xf32>
      %max3A_219 = arith.maximumf %add3A_216, %max3A_218 : vector<16xf32>
      %swap3A = arith.index_cast %scan3A_196 : i32 to index
      %swap3A_220 = arith.constant 0 : index
      %swap3A_221 = tpu.vector_load %arg14[%swap3A, %swap3A_220] {strides = array<i32>} : memref<80x64xf32, #tpu.memory_space<vmem>>, vector<1x16xf32>,
      %swap3A_222 = vector.shape_cast %swap3A_221 : vector<1x16xf32> to vector<16xf32>
      %swap3A_223 = vector.shape_cast %max3A_219 : vector<16xf32> to vector<1x16xf32>
      tpu.vector_store %arg14[%swap3A, %swap3A_220], %swap3A_223 {strides = array<i32>} : memref<80x64xf32, #tpu.memory_space<vmem>>, vector<1x16xf32>,
      %get3A_224 = arith.index_cast %scan3A_196 : i32 to index
      %get3A_225 = arith.constant 16 : index
      %get3A_226 = tpu.vector_load %arg10[%get3A_224, %get3A_225] {strides = array<i32>} : memref<80x128xf32, #tpu.memory_space<vmem>>, vector<1x16xf32>,
      %get3A_227 = vector.shape_cast %get3A_226 : vector<1x16xf32> to vector<16xf32>
      %get3A_228 = arith.index_cast %scan3A_196 : i32 to index
      %get3A_229 = arith.constant 16 : index
      %get3A_230 = tpu.vector_load %arg12[%get3A_228, %get3A_229] {strides = array<i32>} : memref<80x128xf32, #tpu.memory_space<vmem>>, vector<1x16xf32>,
      %get3A_231 = vector.shape_cast %get3A_230 : vector<1x16xf32> to vector<16xf32>
      %add3A_232 = arith.addf %get3A_227, %get3A_231 : vector<16xf32>
      %get3A_233 = arith.index_cast %scan3A_196 : i32 to index
      %get3A_234 = arith.constant 80 : index
      %get3A_235 = tpu.vector_load %arg10[%get3A_233, %get3A_234] {strides = array<i32>} : memref<80x128xf32, #tpu.memory_space<vmem>>, vector<1x16xf32>,
      %get3A_236 = vector.shape_cast %get3A_235 : vector<1x16xf32> to vector<16xf32>
      %get3A_237 = arith.index_cast %scan3A_196 : i32 to index
      %get3A_238 = arith.constant 80 : index
      %get3A_239 = tpu.vector_load %arg12[%get3A_237, %get3A_238] {strides = array<i32>} : memref<80x128xf32, #tpu.memory_space<vmem>>, vector<1x16xf32>,
      %get3A_240 = vector.shape_cast %get3A_239 : vector<1x16xf32> to vector<16xf32>
      %add3A_241 = arith.addf %get3A_236, %get3A_240 : vector<16xf32>
      %max3A_242 = arith.constant 0.000000e+00 : f32
      %max3A_243 = vector.broadcast %max3A_242 : f32 to vector<16xf32>
      %max3A_244 = arith.maximumf %add3A_232, %max3A_243 : vector<16xf32>
      %add3A_245 = arith.addf %max3A_244, %add3A_241 : vector<16xf32>
      %max3A_246 = arith.constant 0.000000e+00 : f32
      %max3A_247 = vector.broadcast %max3A_246 : f32 to vector<16xf32>
      %max3A_248 = arith.maximumf %add3A_245, %max3A_247 : vector<16xf32>
      %swap3A_249 = arith.index_cast %scan3A_196 : i32 to index
      %swap3A_250 = arith.constant 16 : index
      %swap3A_251 = tpu.vector_load %arg14[%swap3A_249, %swap3A_250] {strides = array<i32>} : memref<80x64xf32, #tpu.memory_space<vmem>>, vector<1x16xf32>,
      %swap3A_252 = vector.shape_cast %swap3A_251 : vector<1x16xf32> to vector<16xf32>
      %swap3A_253 = vector.shape_cast %max3A_248 : vector<16xf32> to vector<1x16xf32>
      tpu.vector_store %arg14[%swap3A_249, %swap3A_250], %swap3A_253 {strides = array<i32>} : memref<80x64xf32, #tpu.memory_space<vmem>>, vector<1x16xf32>,
      %get3A_254 = arith.index_cast %scan3A_196 : i32 to index
      %get3A_255 = arith.constant 32 : index
      %get3A_256 = tpu.vector_load %arg10[%get3A_254, %get3A_255] {strides = array<i32>} : memref<80x128xf32, #tpu.memory_space<vmem>>, vector<1x16xf32>,
      %get3A_257 = vector.shape_cast %get3A_256 : vector<1x16xf32> to vector<16xf32>
      %get3A_258 = arith.index_cast %scan3A_196 : i32 to index
      %get3A_259 = arith.constant 32 : index
      %get3A_260 = tpu.vector_load %arg12[%get3A_258, %get3A_259] {strides = array<i32>} : memref<80x128xf32, #tpu.memory_space<vmem>>, vector<1x16xf32>,
      %get3A_261 = vector.shape_cast %get3A_260 : vector<1x16xf32> to vector<16xf32>
      %add3A_262 = arith.addf %get3A_257, %get3A_261 : vector<16xf32>
      %get3A_263 = arith.index_cast %scan3A_196 : i32 to index
      %get3A_264 = arith.constant 96 : index
      %get3A_265 = tpu.vector_load %arg10[%get3A_263, %get3A_264] {strides = array<i32>} : memref<80x128xf32, #tpu.memory_space<vmem>>, vector<1x16xf32>,
      %get3A_266 = vector.shape_cast %get3A_265 : vector<1x16xf32> to vector<16xf32>
      %get3A_267 = arith.index_cast %scan3A_196 : i32 to index
      %get3A_268 = arith.constant 96 : index
      %get3A_269 = tpu.vector_load %arg12[%get3A_267, %get3A_268] {strides = array<i32>} : memref<80x128xf32, #tpu.memory_space<vmem>>, vector<1x16xf32>,
      %get3A_270 = vector.shape_cast %get3A_269 : vector<1x16xf32> to vector<16xf32>
      %add3A_271 = arith.addf %get3A_266, %get3A_270 : vector<16xf32>
      %max3A_272 = arith.constant 0.000000e+00 : f32
      %max3A_273 = vector.broadcast %max3A_272 : f32 to vector<16xf32>
      %max3A_274 = arith.maximumf %add3A_262, %max3A_273 : vector<16xf32>
      %add3A_275 = arith.addf %max3A_274, %add3A_271 : vector<16xf32>
      %max3A_276 = arith.constant 0.000000e+00 : f32
      %max3A_277 = vector.broadcast %max3A_276 : f32 to vector<16xf32>
      %max3A_278 = arith.maximumf %add3A_275, %max3A_277 : vector<16xf32>
      %swap3A_279 = arith.index_cast %scan3A_196 : i32 to index
      %swap3A_280 = arith.constant 32 : index
      %swap3A_281 = tpu.vector_load %arg14[%swap3A_279, %swap3A_280] {strides = array<i32>} : memref<80x64xf32, #tpu.memory_space<vmem>>, vector<1x16xf32>,
      %swap3A_282 = vector.shape_cast %swap3A_281 : vector<1x16xf32> to vector<16xf32>
      %swap3A_283 = vector.shape_cast %max3A_278 : vector<16xf32> to vector<1x16xf32>
      tpu.vector_store %arg14[%swap3A_279, %swap3A_280], %swap3A_283 {strides = array<i32>} : memref<80x64xf32, #tpu.memory_space<vmem>>, vector<1x16xf32>,
      %get3A_284 = arith.index_cast %scan3A_196 : i32 to index
      %get3A_285 = arith.constant 48 : index
      %get3A_286 = tpu.vector_load %arg10[%get3A_284, %get3A_285] {strides = array<i32>} : memref<80x128xf32, #tpu.memory_space<vmem>>, vector<1x16xf32>,
      %get3A_287 = vector.shape_cast %get3A_286 : vector<1x16xf32> to vector<16xf32>
      %get3A_288 = arith.index_cast %scan3A_196 : i32 to index
      %get3A_289 = arith.constant 48 : index
      %get3A_290 = tpu.vector_load %arg12[%get3A_288, %get3A_289] {strides = array<i32>} : memref<80x128xf32, #tpu.memory_space<vmem>>, vector<1x16xf32>,
      %get3A_291 = vector.shape_cast %get3A_290 : vector<1x16xf32> to vector<16xf32>
      %add3A_292 = arith.addf %get3A_287, %get3A_291 : vector<16xf32>
      %get3A_293 = arith.index_cast %scan3A_196 : i32 to index
      %get3A_294 = arith.constant 112 : index
      %get3A_295 = tpu.vector_load %arg10[%get3A_293, %get3A_294] {strides = array<i32>} : memref<80x128xf32, #tpu.memory_space<vmem>>, vector<1x16xf32>,
      %get3A_296 = vector.shape_cast %get3A_295 : vector<1x16xf32> to vector<16xf32>
      %get3A_297 = arith.index_cast %scan3A_196 : i32 to index
      %get3A_298 = arith.constant 112 : index
      %get3A_299 = tpu.vector_load %arg12[%get3A_297, %get3A_298] {strides = array<i32>} : memref<80x128xf32, #tpu.memory_space<vmem>>, vector<1x16xf32>,
      %get3A_300 = vector.shape_cast %get3A_299 : vector<1x16xf32> to vector<16xf32>
      %add3A_301 = arith.addf %get3A_296, %get3A_300 : vector<16xf32>
      %max3A_302 = arith.constant 0.000000e+00 : f32
      %max3A_303 = vector.broadcast %max3A_302 : f32 to vector<16xf32>
      %max3A_304 = arith.maximumf %add3A_292, %max3A_303 : vector<16xf32>
      %add3A_305 = arith.addf %max3A_304, %add3A_301 : vector<16xf32>
      %max3A_306 = arith.constant 0.000000e+00 : f32
      %max3A_307 = vector.broadcast %max3A_306 : f32 to vector<16xf32>
      %max3A_308 = arith.maximumf %add3A_305, %max3A_307 : vector<16xf32>
      %swap3A_309 = arith.index_cast %scan3A_196 : i32 to index
      %swap3A_310 = arith.constant 48 : index
      %swap3A_311 = tpu.vector_load %arg14[%swap3A_309, %swap3A_310] {strides = array<i32>} : memref<80x64xf32, #tpu.memory_space<vmem>>, vector<1x16xf32>,
      %swap3A_312 = vector.shape_cast %swap3A_311 : vector<1x16xf32> to vector<16xf32>
      %swap3A_313 = vector.shape_cast %max3A_308 : vector<16xf32> to vector<1x16xf32>
      tpu.vector_store %arg14[%swap3A_309, %swap3A_310], %swap3A_313 {strides = array<i32>} : memref<80x64xf32, #tpu.memory_space<vmem>>, vector<1x16xf32>,
    }
    %scan3A_149 = arith.constant 80 : i32
    %add3A_150 = arith.constant 9840 : i32
    %add3A_151 = arith.addi %mul3A_2, %add3A_150 : i32
    %dma_start3A_152 = arith.constant 0 : i32
    %dma_start3A_153 = tpu.memref_slice %arg6[%add3A_151, %dma_start3A_152] : memref<320000x64xf32, #tpu.memory_space<hbm>> -> memref<80x64xf32, #tpu.memory_space<hbm>>
    %dma_start3A_154 = arith.constant 0 : i32
    %dma_start3A_155 = tpu.memref_slice %arg6[%add3A_151, %dma_start3A_154] : memref<320000x64xf32, #tpu.memory_space<hbm>> -> memref<80x64xf32, #tpu.memory_space<hbm>>
    tpu.enqueue_dma source(%arg14 : memref<80x64xf32, #tpu.memory_space<vmem>>) target(%dma_start3A_155 : memref<80x64xf32, #tpu.memory_space<hbm>>) target_semaphore(%arg20 : memref<!tpu.dma_semaphore, #tpu.memory_space<semaphore_mem>>)
    %dma_wait3A_156 = arith.constant 9920 : i32
    %dma_wait3A_157 = tpu.memref_slice %arg7[%dma_wait3A_156] : memref<10000xi32, #tpu.memory_space<vmem>> -> memref<80xi32, #tpu.memory_space<vmem>>
    %dma_wait3A_158 = arith.constant 0 : i32
    %dma_wait3A_159 = arith.constant 0 : i32
    %dma_wait3A_160 = tpu.memref_slice %arg2[%dma_wait3A_158, %dma_wait3A_159] : memref<10000x128xf32, #tpu.memory_space<hbm>> -> memref<10000x128xf32, #tpu.memory_space<hbm>>
    tpu.wait_indirect_dma semaphore(%arg15 : memref<!tpu.dma_semaphore, #tpu.memory_space<semaphore_mem>>) src(%dma_wait3A_160 : memref<10000x128xf32, #tpu.memory_space<hbm>>) dst(%arg9 : memref<80x128xf32, #tpu.memory_space<vmem>>)
    %dma_wait3A_161 = arith.constant 9920 : i32
    %dma_wait3A_162 = tpu.memref_slice %arg8[%dma_wait3A_161] : memref<10000xi32, #tpu.memory_space<vmem>> -> memref<80xi32, #tpu.memory_space<vmem>>
    %dma_wait3A_163 = arith.constant 0 : i32
    %dma_wait3A_164 = arith.constant 0 : i32
    %dma_wait3A_165 = tpu.memref_slice %arg3[%dma_wait3A_163, %dma_wait3A_164] : memref<10000x128xf32, #tpu.memory_space<hbm>> -> memref<10000x128xf32, #tpu.memory_space<hbm>>
    tpu.wait_indirect_dma semaphore(%arg17 : memref<!tpu.dma_semaphore, #tpu.memory_space<semaphore_mem>>) src(%dma_wait3A_165 : memref<10000x128xf32, #tpu.memory_space<hbm>>) dst(%arg11 : memref<80x128xf32, #tpu.memory_space<vmem>>)
    %add3A_166 = arith.constant 9920 : i32
    %add3A_167 = arith.addi %mul3A_2, %add3A_166 : i32
    %dma_wait3A_168 = arith.constant 0 : i32
    %dma_wait3A_169 = tpu.memref_slice %arg6[%add3A_167, %dma_wait3A_168] : memref<320000x64xf32, #tpu.memory_space<hbm>> -> memref<80x64xf32, #tpu.memory_space<hbm>>
    %dma_wait3A_170 = arith.constant 0 : i32
    %dma_wait3A_171 = tpu.memref_slice %arg6[%add3A_167, %dma_wait3A_170] : memref<320000x64xf32, #tpu.memory_space<hbm>> -> memref<80x64xf32, #tpu.memory_space<hbm>>
    tpu.wait_dma2 semaphore(%arg19 : memref<!tpu.dma_semaphore, #tpu.memory_space<semaphore_mem>>) src(%arg13 : memref<80x64xf32, #tpu.memory_space<vmem>>) dst(%dma_wait3A_171 : memref<80x64xf32, #tpu.memory_space<hbm>>)
    %scan3A_172 = arith.constant 0 : i32
    %scan3A_173 = arith.constant 0 : i32
    %scan3A_174 = arith.constant 80 : i32
    %scan3A_175 = arith.addi %scan3A_173, %scan3A_174 : i32
    %scan3A_176 = arith.constant 1 : i32
    scf.for %scan3A_196 = %scan3A_173 to %scan3A_175 step %scan3A_176  : i32 {
      %get3A = arith.index_cast %scan3A_196 : i32 to index
      %get3A_197 = arith.constant 0 : index
      %get3A_198 = tpu.vector_load %arg9[%get3A, %get3A_197] {strides = array<i32>} : memref<80x128xf32, #tpu.memory_space<vmem>>, vector<1x16xf32>,
      %get3A_199 = vector.shape_cast %get3A_198 : vector<1x16xf32> to vector<16xf32>
      %get3A_200 = arith.index_cast %scan3A_196 : i32 to index
      %get3A_201 = arith.constant 0 : index
      %get3A_202 = tpu.vector_load %arg11[%get3A_200, %get3A_201] {strides = array<i32>} : memref<80x128xf32, #tpu.memory_space<vmem>>, vector<1x16xf32>,
      %get3A_203 = vector.shape_cast %get3A_202 : vector<1x16xf32> to vector<16xf32>
      %add3A_204 = arith.addf %get3A_199, %get3A_203 : vector<16xf32>
      %get3A_205 = arith.index_cast %scan3A_196 : i32 to index
      %get3A_206 = arith.constant 64 : index
      %get3A_207 = tpu.vector_load %arg9[%get3A_205, %get3A_206] {strides = array<i32>} : memref<80x128xf32, #tpu.memory_space<vmem>>, vector<1x16xf32>,
      %get3A_208 = vector.shape_cast %get3A_207 : vector<1x16xf32> to vector<16xf32>
      %get3A_209 = arith.index_cast %scan3A_196 : i32 to index
      %get3A_210 = arith.constant 64 : index
      %get3A_211 = tpu.vector_load %arg11[%get3A_209, %get3A_210] {strides = array<i32>} : memref<80x128xf32, #tpu.memory_space<vmem>>, vector<1x16xf32>,
      %get3A_212 = vector.shape_cast %get3A_211 : vector<1x16xf32> to vector<16xf32>
      %add3A_213 = arith.addf %get3A_208, %get3A_212 : vector<16xf32>
      %max3A = arith.constant 0.000000e+00 : f32
      %max3A_214 = vector.broadcast %max3A : f32 to vector<16xf32>
      %max3A_215 = arith.maximumf %add3A_204, %max3A_214 : vector<16xf32>
      %add3A_216 = arith.addf %max3A_215, %add3A_213 : vector<16xf32>
      %max3A_217 = arith.constant 0.000000e+00 : f32
      %max3A_218 = vector.broadcast %max3A_217 : f32 to vector<16xf32>
      %max3A_219 = arith.maximumf %add3A_216, %max3A_218 : vector<16xf32>
      %swap3A = arith.index_cast %scan3A_196 : i32 to index
      %swap3A_220 = arith.constant 0 : index
      %swap3A_221 = tpu.vector_load %arg13[%swap3A, %swap3A_220] {strides = array<i32>} : memref<80x64xf32, #tpu.memory_space<vmem>>, vector<1x16xf32>,
      %swap3A_222 = vector.shape_cast %swap3A_221 : vector<1x16xf32> to vector<16xf32>
      %swap3A_223 = vector.shape_cast %max3A_219 : vector<16xf32> to vector<1x16xf32>
      tpu.vector_store %arg13[%swap3A, %swap3A_220], %swap3A_223 {strides = array<i32>} : memref<80x64xf32, #tpu.memory_space<vmem>>, vector<1x16xf32>,
      %get3A_224 = arith.index_cast %scan3A_196 : i32 to index
      %get3A_225 = arith.constant 16 : index
      %get3A_226 = tpu.vector_load %arg9[%get3A_224, %get3A_225] {strides = array<i32>} : memref<80x128xf32, #tpu.memory_space<vmem>>, vector<1x16xf32>,
      %get3A_227 = vector.shape_cast %get3A_226 : vector<1x16xf32> to vector<16xf32>
      %get3A_228 = arith.index_cast %scan3A_196 : i32 to index
      %get3A_229 = arith.constant 16 : index
      %get3A_230 = tpu.vector_load %arg11[%get3A_228, %get3A_229] {strides = array<i32>} : memref<80x128xf32, #tpu.memory_space<vmem>>, vector<1x16xf32>,
      %get3A_231 = vector.shape_cast %get3A_230 : vector<1x16xf32> to vector<16xf32>
      %add3A_232 = arith.addf %get3A_227, %get3A_231 : vector<16xf32>
      %get3A_233 = arith.index_cast %scan3A_196 : i32 to index
      %get3A_234 = arith.constant 80 : index
      %get3A_235 = tpu.vector_load %arg9[%get3A_233, %get3A_234] {strides = array<i32>} : memref<80x128xf32, #tpu.memory_space<vmem>>, vector<1x16xf32>,
      %get3A_236 = vector.shape_cast %get3A_235 : vector<1x16xf32> to vector<16xf32>
      %get3A_237 = arith.index_cast %scan3A_196 : i32 to index
      %get3A_238 = arith.constant 80 : index
      %get3A_239 = tpu.vector_load %arg11[%get3A_237, %get3A_238] {strides = array<i32>} : memref<80x128xf32, #tpu.memory_space<vmem>>, vector<1x16xf32>,
      %get3A_240 = vector.shape_cast %get3A_239 : vector<1x16xf32> to vector<16xf32>
      %add3A_241 = arith.addf %get3A_236, %get3A_240 : vector<16xf32>
      %max3A_242 = arith.constant 0.000000e+00 : f32
      %max3A_243 = vector.broadcast %max3A_242 : f32 to vector<16xf32>
      %max3A_244 = arith.maximumf %add3A_232, %max3A_243 : vector<16xf32>
      %add3A_245 = arith.addf %max3A_244, %add3A_241 : vector<16xf32>
      %max3A_246 = arith.constant 0.000000e+00 : f32
      %max3A_247 = vector.broadcast %max3A_246 : f32 to vector<16xf32>
      %max3A_248 = arith.maximumf %add3A_245, %max3A_247 : vector<16xf32>
      %swap3A_249 = arith.index_cast %scan3A_196 : i32 to index
      %swap3A_250 = arith.constant 16 : index
      %swap3A_251 = tpu.vector_load %arg13[%swap3A_249, %swap3A_250] {strides = array<i32>} : memref<80x64xf32, #tpu.memory_space<vmem>>, vector<1x16xf32>,
      %swap3A_252 = vector.shape_cast %swap3A_251 : vector<1x16xf32> to vector<16xf32>
      %swap3A_253 = vector.shape_cast %max3A_248 : vector<16xf32> to vector<1x16xf32>
      tpu.vector_store %arg13[%swap3A_249, %swap3A_250], %swap3A_253 {strides = array<i32>} : memref<80x64xf32, #tpu.memory_space<vmem>>, vector<1x16xf32>,
      %get3A_254 = arith.index_cast %scan3A_196 : i32 to index
      %get3A_255 = arith.constant 32 : index
      %get3A_256 = tpu.vector_load %arg9[%get3A_254, %get3A_255] {strides = array<i32>} : memref<80x128xf32, #tpu.memory_space<vmem>>, vector<1x16xf32>,
      %get3A_257 = vector.shape_cast %get3A_256 : vector<1x16xf32> to vector<16xf32>
      %get3A_258 = arith.index_cast %scan3A_196 : i32 to index
      %get3A_259 = arith.constant 32 : index
      %get3A_260 = tpu.vector_load %arg11[%get3A_258, %get3A_259] {strides = array<i32>} : memref<80x128xf32, #tpu.memory_space<vmem>>, vector<1x16xf32>,
      %get3A_261 = vector.shape_cast %get3A_260 : vector<1x16xf32> to vector<16xf32>
      %add3A_262 = arith.addf %get3A_257, %get3A_261 : vector<16xf32>
      %get3A_263 = arith.index_cast %scan3A_196 : i32 to index
      %get3A_264 = arith.constant 96 : index
      %get3A_265 = tpu.vector_load %arg9[%get3A_263, %get3A_264] {strides = array<i32>} : memref<80x128xf32, #tpu.memory_space<vmem>>, vector<1x16xf32>,
      %get3A_266 = vector.shape_cast %get3A_265 : vector<1x16xf32> to vector<16xf32>
      %get3A_267 = arith.index_cast %scan3A_196 : i32 to index
      %get3A_268 = arith.constant 96 : index
      %get3A_269 = tpu.vector_load %arg11[%get3A_267, %get3A_268] {strides = array<i32>} : memref<80x128xf32, #tpu.memory_space<vmem>>, vector<1x16xf32>,
      %get3A_270 = vector.shape_cast %get3A_269 : vector<1x16xf32> to vector<16xf32>
      %add3A_271 = arith.addf %get3A_266, %get3A_270 : vector<16xf32>
      %max3A_272 = arith.constant 0.000000e+00 : f32
      %max3A_273 = vector.broadcast %max3A_272 : f32 to vector<16xf32>
      %max3A_274 = arith.maximumf %add3A_262, %max3A_273 : vector<16xf32>
      %add3A_275 = arith.addf %max3A_274, %add3A_271 : vector<16xf32>
      %max3A_276 = arith.constant 0.000000e+00 : f32
      %max3A_277 = vector.broadcast %max3A_276 : f32 to vector<16xf32>
      %max3A_278 = arith.maximumf %add3A_275, %max3A_277 : vector<16xf32>
      %swap3A_279 = arith.index_cast %scan3A_196 : i32 to index
      %swap3A_280 = arith.constant 32 : index
      %swap3A_281 = tpu.vector_load %arg13[%swap3A_279, %swap3A_280] {strides = array<i32>} : memref<80x64xf32, #tpu.memory_space<vmem>>, vector<1x16xf32>,
      %swap3A_282 = vector.shape_cast %swap3A_281 : vector<1x16xf32> to vector<16xf32>
      %swap3A_283 = vector.shape_cast %max3A_278 : vector<16xf32> to vector<1x16xf32>
      tpu.vector_store %arg13[%swap3A_279, %swap3A_280], %swap3A_283 {strides = array<i32>} : memref<80x64xf32, #tpu.memory_space<vmem>>, vector<1x16xf32>,
      %get3A_284 = arith.index_cast %scan3A_196 : i32 to index
      %get3A_285 = arith.constant 48 : index
      %get3A_286 = tpu.vector_load %arg9[%get3A_284, %get3A_285] {strides = array<i32>} : memref<80x128xf32, #tpu.memory_space<vmem>>, vector<1x16xf32>,
      %get3A_287 = vector.shape_cast %get3A_286 : vector<1x16xf32> to vector<16xf32>
      %get3A_288 = arith.index_cast %scan3A_196 : i32 to index
      %get3A_289 = arith.constant 48 : index
      %get3A_290 = tpu.vector_load %arg11[%get3A_288, %get3A_289] {strides = array<i32>} : memref<80x128xf32, #tpu.memory_space<vmem>>, vector<1x16xf32>,
      %get3A_291 = vector.shape_cast %get3A_290 : vector<1x16xf32> to vector<16xf32>
      %add3A_292 = arith.addf %get3A_287, %get3A_291 : vector<16xf32>
      %get3A_293 = arith.index_cast %scan3A_196 : i32 to index
      %get3A_294 = arith.constant 112 : index
      %get3A_295 = tpu.vector_load %arg9[%get3A_293, %get3A_294] {strides = array<i32>} : memref<80x128xf32, #tpu.memory_space<vmem>>, vector<1x16xf32>,
      %get3A_296 = vector.shape_cast %get3A_295 : vector<1x16xf32> to vector<16xf32>
      %get3A_297 = arith.index_cast %scan3A_196 : i32 to index
      %get3A_298 = arith.constant 112 : index
      %get3A_299 = tpu.vector_load %arg11[%get3A_297, %get3A_298] {strides = array<i32>} : memref<80x128xf32, #tpu.memory_space<vmem>>, vector<1x16xf32>,
      %get3A_300 = vector.shape_cast %get3A_299 : vector<1x16xf32> to vector<16xf32>
      %add3A_301 = arith.addf %get3A_296, %get3A_300 : vector<16xf32>
      %max3A_302 = arith.constant 0.000000e+00 : f32
      %max3A_303 = vector.broadcast %max3A_302 : f32 to vector<16xf32>
      %max3A_304 = arith.maximumf %add3A_292, %max3A_303 : vector<16xf32>
      %add3A_305 = arith.addf %max3A_304, %add3A_301 : vector<16xf32>
      %max3A_306 = arith.constant 0.000000e+00 : f32
      %max3A_307 = vector.broadcast %max3A_306 : f32 to vector<16xf32>
      %max3A_308 = arith.maximumf %add3A_305, %max3A_307 : vector<16xf32>
      %swap3A_309 = arith.index_cast %scan3A_196 : i32 to index
      %swap3A_310 = arith.constant 48 : index
      %swap3A_311 = tpu.vector_load %arg13[%swap3A_309, %swap3A_310] {strides = array<i32>} : memref<80x64xf32, #tpu.memory_space<vmem>>, vector<1x16xf32>,
      %swap3A_312 = vector.shape_cast %swap3A_311 : vector<1x16xf32> to vector<16xf32>
      %swap3A_313 = vector.shape_cast %max3A_308 : vector<16xf32> to vector<1x16xf32>
      tpu.vector_store %arg13[%swap3A_309, %swap3A_310], %swap3A_313 {strides = array<i32>} : memref<80x64xf32, #tpu.memory_space<vmem>>, vector<1x16xf32>,
    }
    %scan3A_177 = arith.constant 80 : i32
    %add3A_178 = arith.constant 9920 : i32
    %add3A_179 = arith.addi %mul3A_2, %add3A_178 : i32
    %dma_start3A_180 = arith.constant 0 : i32
    %dma_start3A_181 = tpu.memref_slice %arg6[%add3A_179, %dma_start3A_180] : memref<320000x64xf32, #tpu.memory_space<hbm>> -> memref<80x64xf32, #tpu.memory_space<hbm>>
    %dma_start3A_182 = arith.constant 0 : i32
    %dma_start3A_183 = tpu.memref_slice %arg6[%add3A_179, %dma_start3A_182] : memref<320000x64xf32, #tpu.memory_space<hbm>> -> memref<80x64xf32, #tpu.memory_space<hbm>>
    tpu.enqueue_dma source(%arg13 : memref<80x64xf32, #tpu.memory_space<vmem>>) target(%dma_start3A_183 : memref<80x64xf32, #tpu.memory_space<hbm>>) target_semaphore(%arg19 : memref<!tpu.dma_semaphore, #tpu.memory_space<semaphore_mem>>)
    %add3A_184 = arith.constant 9840 : i32
    %add3A_185 = arith.addi %mul3A_2, %add3A_184 : i32
    %dma_wait3A_186 = arith.constant 0 : i32
    %dma_wait3A_187 = tpu.memref_slice %arg6[%add3A_185, %dma_wait3A_186] : memref<320000x64xf32, #tpu.memory_space<hbm>> -> memref<80x64xf32, #tpu.memory_space<hbm>>
    %dma_wait3A_188 = arith.constant 0 : i32
    %dma_wait3A_189 = tpu.memref_slice %arg6[%add3A_185, %dma_wait3A_188] : memref<320000x64xf32, #tpu.memory_space<hbm>> -> memref<80x64xf32, #tpu.memory_space<hbm>>
    tpu.wait_dma2 semaphore(%arg20 : memref<!tpu.dma_semaphore, #tpu.memory_space<semaphore_mem>>) src(%arg14 : memref<80x64xf32, #tpu.memory_space<vmem>>) dst(%dma_wait3A_189 : memref<80x64xf32, #tpu.memory_space<hbm>>)
    %add3A_190 = arith.constant 9920 : i32
    %add3A_191 = arith.addi %mul3A_2, %add3A_190 : i32
    %dma_wait3A_192 = arith.constant 0 : i32
    %dma_wait3A_193 = tpu.memref_slice %arg6[%add3A_191, %dma_wait3A_192] : memref<320000x64xf32, #tpu.memory_space<hbm>> -> memref<80x64xf32, #tpu.memory_space<hbm>>
    %dma_wait3A_194 = arith.constant 0 : i32
    %dma_wait3A_195 = tpu.memref_slice %arg6[%add3A_191, %dma_wait3A_194] : memref<320000x64xf32, #tpu.memory_space<hbm>> -> memref<80x64xf32, #tpu.memory_space<hbm>>
    tpu.wait_dma2 semaphore(%arg19 : memref<!tpu.dma_semaphore, #tpu.memory_space<semaphore_mem>>) src(%arg13 : memref<80x64xf32, #tpu.memory_space<vmem>>) dst(%dma_wait3A_195 : memref<80x64xf32, #tpu.memory_space<hbm>>)
    return
  }
}

module attributes {stable_mosaic.version = 14 : i64} {
  func.func @_tables_body(%arg0: memref<10000x128xf32, #tpu.memory_space<vmem>>, %arg1: memref<128x128xf32, #tpu.memory_space<vmem>>, %arg2: memref<128x128xf32, #tpu.memory_space<vmem>>, %arg3: memref<1x128xf32, #tpu.memory_space<vmem>>, %arg4: memref<10000x128xf32, #tpu.memory_space<vmem>>, %arg5: memref<10000x128xf32, #tpu.memory_space<vmem>>) attributes {dimension_semantics = [], scalar_prefetch = 0 : i64, scratch_operands = 0 : i64, tpu.core_type = #tpu.core_type<tc>} {
    %get3A = arith.constant 0 : index
    %get3A_0 = arith.constant 0 : index
    %get3A_1 = vector.load %arg0[%get3A, %get3A_0] : memref<10000x128xf32, #tpu.memory_space<vmem>>, vector<10000x128xf32>
    %get3A_2 = arith.constant 0 : index
    %get3A_3 = arith.constant 0 : index
    %get3A_4 = vector.load %arg1[%get3A_2, %get3A_3] : memref<128x128xf32, #tpu.memory_space<vmem>>, vector<128x128xf32>
    %dot_general3A = arith.constant dense<0.000000e+00> : vector<10000x128xf32>
    %dot_general3A_5 = tpu.matmul %get3A_1, %get3A_4, %dot_general3A {dimension_numbers = #tpu.dot_dimension_numbers<[1], [0], [0], [1], [0, 0, 1, 1], [], []>, transpose_lhs_hint = false} : vector<10000x128xf32>, vector<128x128xf32>, vector<10000x128xf32> -> vector<10000x128xf32>
    %get3A_6 = arith.constant 0 : index
    %get3A_7 = arith.constant 0 : index
    %get3A_8 = vector.load %arg3[%get3A_6, %get3A_7] : memref<1x128xf32, #tpu.memory_space<vmem>>, vector<1x128xf32>
    %add3A = vector.broadcast %get3A_8 : vector<1x128xf32> to vector<10000x128xf32>
    %add3A_9 = arith.addf %dot_general3A_5, %add3A : vector<10000x128xf32>
    %swap3A = arith.constant 0 : index
    %swap3A_10 = arith.constant 0 : index
    %swap3A_11 = vector.load %arg4[%swap3A, %swap3A_10] : memref<10000x128xf32, #tpu.memory_space<vmem>>, vector<10000x128xf32>
    tpu.vector_store %arg4[%swap3A, %swap3A_10], %add3A_9 {strides = array<i32>} : memref<10000x128xf32, #tpu.memory_space<vmem>>, vector<10000x128xf32>,
    %get3A_12 = arith.constant 0 : index
    %get3A_13 = arith.constant 0 : index
    %get3A_14 = vector.load %arg2[%get3A_12, %get3A_13] : memref<128x128xf32, #tpu.memory_space<vmem>>, vector<128x128xf32>
    %dot_general3A_15 = arith.constant dense<0.000000e+00> : vector<10000x128xf32>
    %dot_general3A_16 = tpu.matmul %get3A_1, %get3A_14, %dot_general3A_15 {dimension_numbers = #tpu.dot_dimension_numbers<[1], [0], [0], [1], [0, 0, 1, 1], [], []>, transpose_lhs_hint = false} : vector<10000x128xf32>, vector<128x128xf32>, vector<10000x128xf32> -> vector<10000x128xf32>
    %swap3A_17 = arith.constant 0 : index
    %swap3A_18 = arith.constant 0 : index
    %swap3A_19 = vector.load %arg5[%swap3A_17, %swap3A_18] : memref<10000x128xf32, #tpu.memory_space<vmem>>, vector<10000x128xf32>
    tpu.vector_store %arg5[%swap3A_17, %swap3A_18], %dot_general3A_16 {strides = array<i32>} : memref<10000x128xf32, #tpu.memory_space<vmem>>, vector<10000x128xf32>,
    return
  }
}

module attributes {stable_mosaic.version = 14 : i64} {
  func.func @_tail_body(%arg0: i32, %arg1: memref<4096x64xf32, #tpu.memory_space<vmem>>, %arg2: memref<64x64xf32, #tpu.memory_space<vmem>>, %arg3: memref<1x32xf32, #tpu.memory_space<vmem>>, %arg4: memref<32x32xf32, #tpu.memory_space<vmem>>, %arg5: memref<1x16xf32, #tpu.memory_space<vmem>>, %arg6: memref<16x1xf32, #tpu.memory_space<vmem>>, %arg7: memref<1x1xf32, #tpu.memory_space<vmem>>, %arg8: memref<4096xf32, #tpu.memory_space<vmem>>) attributes {dimension_semantics = [#tpu.dimension_semantics<arbitrary>], iteration_bounds = array<i64: 79>, scalar_prefetch = 0 : i64, scratch_operands = 0 : i64, tpu.core_type = #tpu.core_type<tc>, window_params = [{transform_indices = @transform_0, window_bounds = array<i64: 4096, 64>}, {pipeline_mode = #tpu.pipeline_mode<synchronous>, transform_indices = @transform_1, window_bounds = array<i64: 64, 64>}, {pipeline_mode = #tpu.pipeline_mode<synchronous>, transform_indices = @transform_2, window_bounds = array<i64: 1, 32>}, {pipeline_mode = #tpu.pipeline_mode<synchronous>, transform_indices = @transform_3, window_bounds = array<i64: 32, 32>}, {pipeline_mode = #tpu.pipeline_mode<synchronous>, transform_indices = @transform_4, window_bounds = array<i64: 1, 16>}, {pipeline_mode = #tpu.pipeline_mode<synchronous>, transform_indices = @transform_5, window_bounds = array<i64: 16, 1>}, {pipeline_mode = #tpu.pipeline_mode<synchronous>, transform_indices = @transform_6, window_bounds = array<i64: 1, 1>}, {transform_indices = @transform_7, window_bounds = array<i64: 4096>}]} {
    %get3A = arith.constant 0 : index
    %get3A_0 = arith.constant 0 : index
    %get3A_1 = vector.load %arg1[%get3A, %get3A_0] : memref<4096x64xf32, #tpu.memory_space<vmem>>, vector<4096x64xf32>
    %get3A_2 = arith.constant 0 : index
    %get3A_3 = arith.constant 0 : index
    %get3A_4 = vector.load %arg2[%get3A_2, %get3A_3] : memref<64x64xf32, #tpu.memory_space<vmem>>, vector<64x64xf32>
    %dot_general3A = arith.constant dense<0.000000e+00> : vector<4096x64xf32>
    %dot_general3A_5 = tpu.matmul %get3A_1, %get3A_4, %dot_general3A {dimension_numbers = #tpu.dot_dimension_numbers<[1], [0], [0], [1], [0, 0, 1, 1], [], []>, transpose_lhs_hint = false} : vector<4096x64xf32>, vector<64x64xf32>, vector<4096x64xf32> -> vector<4096x64xf32>
    %slice3A = vector.extract_strided_slice %dot_general3A_5 {offsets = [0, 0], sizes = [4096, 32], strides = [1, 1]} : vector<4096x64xf32> to vector<4096x32xf32>
    %get3A_6 = arith.constant 0 : index
    %get3A_7 = arith.constant 0 : index
    %get3A_8 = vector.load %arg3[%get3A_6, %get3A_7] : memref<1x32xf32, #tpu.memory_space<vmem>>, vector<1x32xf32>
    %add3A = vector.broadcast %get3A_8 : vector<1x32xf32> to vector<4096x32xf32>
    %add3A_9 = arith.addf %slice3A, %add3A : vector<4096x32xf32>
    %max3A = arith.constant 0.000000e+00 : f32
    %max3A_10 = vector.broadcast %max3A : f32 to vector<4096x32xf32>
    %max3A_11 = arith.maximumf %add3A_9, %max3A_10 : vector<4096x32xf32>
    %slice3A_12 = vector.extract_strided_slice %dot_general3A_5 {offsets = [0, 32], sizes = [4096, 32], strides = [1, 1]} : vector<4096x64xf32> to vector<4096x32xf32>
    %add3A_13 = arith.addf %max3A_11, %slice3A_12 : vector<4096x32xf32>
    %max3A_14 = arith.constant 0.000000e+00 : f32
    %max3A_15 = vector.broadcast %max3A_14 : f32 to vector<4096x32xf32>
    %max3A_16 = arith.maximumf %add3A_13, %max3A_15 : vector<4096x32xf32>
    %get3A_17 = arith.constant 0 : index
    %get3A_18 = arith.constant 0 : index
    %get3A_19 = vector.load %arg4[%get3A_17, %get3A_18] : memref<32x32xf32, #tpu.memory_space<vmem>>, vector<32x32xf32>
    %dot_general3A_20 = arith.constant dense<0.000000e+00> : vector<4096x32xf32>
    %dot_general3A_21 = tpu.matmul %max3A_16, %get3A_19, %dot_general3A_20 {dimension_numbers = #tpu.dot_dimension_numbers<[1], [0], [0], [1], [0, 0, 1, 1], [], []>, transpose_lhs_hint = false} : vector<4096x32xf32>, vector<32x32xf32>, vector<4096x32xf32> -> vector<4096x32xf32>
    %slice3A_22 = vector.extract_strided_slice %dot_general3A_21 {offsets = [0, 0], sizes = [4096, 16], strides = [1, 1]} : vector<4096x32xf32> to vector<4096x16xf32>
    %get3A_23 = arith.constant 0 : index
    %get3A_24 = arith.constant 0 : index
    %get3A_25 = vector.load %arg5[%get3A_23, %get3A_24] : memref<1x16xf32, #tpu.memory_space<vmem>>, vector<1x16xf32>
    %add3A_26 = vector.broadcast %get3A_25 : vector<1x16xf32> to vector<4096x16xf32>
    %add3A_27 = arith.addf %slice3A_22, %add3A_26 : vector<4096x16xf32>
    %max3A_28 = arith.constant 0.000000e+00 : f32
    %max3A_29 = vector.broadcast %max3A_28 : f32 to vector<4096x16xf32>
    %max3A_30 = arith.maximumf %add3A_27, %max3A_29 : vector<4096x16xf32>
    %slice3A_31 = vector.extract_strided_slice %dot_general3A_21 {offsets = [0, 16], sizes = [4096, 16], strides = [1, 1]} : vector<4096x32xf32> to vector<4096x16xf32>
    %add3A_32 = arith.addf %max3A_30, %slice3A_31 : vector<4096x16xf32>
    %max3A_33 = arith.constant 0.000000e+00 : f32
    %max3A_34 = vector.broadcast %max3A_33 : f32 to vector<4096x16xf32>
    %max3A_35 = arith.maximumf %add3A_32, %max3A_34 : vector<4096x16xf32>
    %get3A_36 = arith.constant 0 : index
    %get3A_37 = arith.constant 0 : index
    %get3A_38 = vector.load %arg6[%get3A_36, %get3A_37] : memref<16x1xf32, #tpu.memory_space<vmem>>, vector<16x1xf32>
    %dot_general3A_39 = arith.constant dense<0.000000e+00> : vector<4096x1xf32>
    %dot_general3A_40 = tpu.matmul %max3A_35, %get3A_38, %dot_general3A_39 {dimension_numbers = #tpu.dot_dimension_numbers<[1], [0], [0], [1], [0, 0, 1, 1], [], []>, transpose_lhs_hint = false} : vector<4096x16xf32>, vector<16x1xf32>, vector<4096x1xf32> -> vector<4096x1xf32>
    %get3A_41 = arith.constant 0 : index
    %get3A_42 = arith.constant 0 : index
    %get3A_43 = vector.load %arg7[%get3A_41, %get3A_42] : memref<1x1xf32, #tpu.memory_space<vmem>>, vector<1x1xf32>
    %add3A_44 = vector.broadcast %get3A_43 : vector<1x1xf32> to vector<4096x1xf32>
    %add3A_45 = arith.addf %dot_general3A_40, %add3A_44 : vector<4096x1xf32>
    %logistic3A = arith.negf %add3A_45 : vector<4096x1xf32>
    %logistic3A_46 = math.exp %logistic3A : vector<4096x1xf32>
    %logistic3A_47 = arith.constant 1.000000e+00 : f32
    %logistic3A_48 = vector.broadcast %logistic3A_47 : f32 to vector<4096x1xf32>
    %logistic3A_49 = arith.addf %logistic3A_48, %logistic3A_46 : vector<4096x1xf32>
    %logistic3A_50 = arith.divf %logistic3A_48, %logistic3A_49 : vector<4096x1xf32>
    %squeeze3A = vector.shape_cast %logistic3A_50 : vector<4096x1xf32> to vector<4096xf32>
    %swap3A = arith.constant 0 : index
    %swap3A_51 = vector.load %arg8[%swap3A] : memref<4096xf32, #tpu.memory_space<vmem>>, vector<4096xf32>
    tpu.vector_store %arg8[%swap3A], %squeeze3A {strides = array<i32>} : memref<4096xf32, #tpu.memory_space<vmem>>, vector<4096xf32>,
    return
  }
  func.func @transform_0(%arg0: i32) -> (i32, i32) {
    %c0_i32 = arith.constant 0 : i32
    %c0_i32_0 = arith.constant 0 : i32
    return %arg0, %c0_i32 : i32, i32
  }
  func.func @transform_1(%arg0: i32) -> (i32, i32) {
    %c0_i32 = arith.constant 0 : i32
    %c0_i32_0 = arith.constant 0 : i32
    %c0_i32_1 = arith.constant 0 : i32
    return %c0_i32, %c0_i32_0 : i32, i32
  }
  func.func @transform_2(%arg0: i32) -> (i32, i32) {
    %c0_i32 = arith.constant 0 : i32
    %c0_i32_0 = arith.constant 0 : i32
    %c0_i32_1 = arith.constant 0 : i32
    return %c0_i32, %c0_i32_0 : i32, i32
  }
  func.func @transform_3(%arg0: i32) -> (i32, i32) {
    %c0_i32 = arith.constant 0 : i32
    %c0_i32_0 = arith.constant 0 : i32
    %c0_i32_1 = arith.constant 0 : i32
    return %c0_i32, %c0_i32_0 : i32, i32
  }
  func.func @transform_4(%arg0: i32) -> (i32, i32) {
    %c0_i32 = arith.constant 0 : i32
    %c0_i32_0 = arith.constant 0 : i32
    %c0_i32_1 = arith.constant 0 : i32
    return %c0_i32, %c0_i32_0 : i32, i32
  }
  func.func @transform_5(%arg0: i32) -> (i32, i32) {
    %c0_i32 = arith.constant 0 : i32
    %c0_i32_0 = arith.constant 0 : i32
    %c0_i32_1 = arith.constant 0 : i32
    return %c0_i32, %c0_i32_0 : i32, i32
  }
  func.func @transform_6(%arg0: i32) -> (i32, i32) {
    %c0_i32 = arith.constant 0 : i32
    %c0_i32_0 = arith.constant 0 : i32
    %c0_i32_1 = arith.constant 0 : i32
    return %c0_i32, %c0_i32_0 : i32, i32
  }
  func.func @transform_7(%arg0: i32) -> i32 {
    %c0_i32 = arith.constant 0 : i32
    return %arg0 : i32
  }
}

</mosaic_0001>

<sc_bundles>
// kernel: kernel.5.cloned.1.call-start
scs
__scs_entry_jumppad:
0x0: {  	(pc) =	sbr.rel $0x88, $3  }
0x1: {  	(tag) =	ssettag $0x0;
	lr =	simm.s32 $0x1  }
0x2: {  	[smem:$0x3F94] =	sst lr;
	_ =	strace $0xD0000000  }
0x3: {  	_ = 	snop  }
0x4: {  	_ = 	snop  }
0x5: {  	_ = 	snop  }
0x6: {  	_ = 	snop  }
0x7: {  	_ = 	snop  }
__scs_overlays_trampoline_lowered:
0x8: {  	[smem:$0x3FA3] =	sst s0  }
0x9: {  	[smem:$0x3FA4] =	sst s1  }
0xa: {  	[smem:$0x3FA5] =	sst s2  }
0xb: {  	[smem:$0x3FA6] =	sst s3  }
0xc: {  	[smem:$0x3FA7] =	sst s4  }
0xd: {  	[smem:$0x3FA8] =	sst s5  }
0xe: {  	[smem:$0x3FA9] =	sst s6  }
0xf: {  	[smem:$0x3FAA] =	sst s7  }
0x10: {  	[smem:$0x3FAB] =	sst s8  }
0x11: {  	[smem:$0x3FAC] =	sst s9;
	s0 =	simm.s32 @!p0 $0x0  }
0x12: {  	s1 =	sld [smem:$0x3F92];
	s0 =	simm.s32 @p0 $0x1  }
0x13: {  	[smem:$0x3FAD] =	sst s0;
	s0 =	simm.s32 @!p1 $0x0  }
0x14: {  	s2 =	sld [smem:$0x3F91];
	s0 =	simm.s32 @p1 $0x1  }
0x15: {  	[smem:$0x3FAE] =	sst s0;
	s0 =	simm.s32 @!p2 $0x0  }
0x16: {  	s3 =	sld [smem:$0x3FDB];
	s0 =	simm.s32 @p2 $0x1  }
0x17: {  	s4 =	simm.s32 $0x1BF5;
	[smem:$0x3FB0] =	sst s0  }
0x18: {  	s0 =	sld [smem:$0x3F93];
	_ =	swait.ge [sflag:s4], $0x0  }
0x19: {  	s7 =	sld [smem:$0x3F94]  }
0x1a: {  	s8 =	sadd.s32 $0xFFFFE003, lr  }
0x1b: {  	s9 =	sadd.s32 $0xFFFFFEF7, lr;
	s5 =	simm.s32 $0xFFFFFFFF;
	p2 =	slt.u32 s8, $0xFFFFF086  }
0x1c: {  	p1 =	slt.u32 s9, $0xF7A;
	s5 =	simm.s32 @!p2 $0x0  }
0x1d: {  	s5 =	simm.s32 @p1 $0x1;
	p0 =	seq.s32 s7, s2  }
0x1e: {  	s7 =	smul.u32 @!p0 $0xF7A, s2;
	p2 =	seq.s32 @!p0 s5, $0x0  }
0x1f: {  	s9 =	smul.u32 $0xF7A, s1;
	s8 =	simm.s32 @!p0 $0x1BF5;
	p2 =	por !p2, p0  }
0x20: {  	[sflag:s8] =	ssyncset.s32 @!p0 $0xFFFFF086;
	s6 =	sadd.s32 @!p0 s3, s7;
	s7 =	simm.s32 @!p0 $0x108  }
0x21: {  	s3 =	sadd.s32 s3, s9;
	s6 =	sadd.s32 @!p0 $0x88, s6;
	s7 =	simm.s32 @p2 $0x1082  }
0x22: {  	[simem:s7], [sflag:s8] =	dma.local @!p0 [hbm:s6], $0xF7A  }
0x23: {  	s9 =	sor.u32 $0xD0000000, s2;
	s6 =	simm.s32 $0x108;
	_ =	swait.ge @!p0 [sflag:s8], $0x0  }
0x24: {  	s3 =	sadd.s32 $0x88, s3;
	s6 =	simm.s32 @!p1 $0x1082;
	[sflag:s4] =	ssyncset.s32 $0xFFFFF086  }
0x25: {  	[simem:s6], [sflag:s4] =	dma.local [hbm:s3], $0xF7A  }
0x26: {  	[smem:$0x3F94] =	sst s1;
	(tag) =	ssettag s2;
	_ =	strace s9  }
0x27: {  	s1 =	sld [smem:$0x3FA4]  }
0x28: {  	s2 =	sld [smem:$0x3FA5]  }
0x29: {  	s4 =	sld [smem:$0x3FA7]  }
0x2a: {  	p0 =	seq.s32 s5, $0x0;
	s5 =	sld [smem:$0x3FA8]  }
0x2b: {  	s6 =	sld [smem:$0x3FA9]  }
0x2c: {  	s7 =	sld [smem:$0x3FAA]  }
0x2d: {  	s3 =	simm.s32 $0x108;
	s8 =	sld [smem:$0x3FAB]  }
0x2e: {  	s3 =	simm.s32 @!p0 $0x1082;
	s9 =	sld [smem:$0x3FAC]  }
0x2f: {  	lr =	sadd.s32 s0, s3;
	s0 =	sld [smem:$0x3FA3]  }
0x30: {  	s3 =	sld [smem:$0x3FA6]  }
0x31: {  	[smem:$0x3FAF] =	sst s10  }
0x32: {  	s10 =	sld [smem:$0x3FAD];
	_ =	sdelay $0x3  }
0x33: {  	p0 =	seq.s32 s10, $0x1;
	s10 =	sld [smem:$0x3FAF];
	_ =	sdelay $0x3  }
0x34: {  	[smem:$0x3FAF] =	sst s10  }
0x35: {  	s10 =	sld [smem:$0x3FAE];
	_ =	sdelay $0x3  }
0x36: {  	p1 =	seq.s32 s10, $0x1;
	s10 =	sld [smem:$0x3FAF];
	_ =	sdelay $0x3  }
0x37: {  	[smem:$0x3FAF] =	sst s10  }
0x38: {  	s10 =	sld [smem:$0x3FB0]  }
0x39: {  	_ = 	snop;
	(pc) =	sbr.ind lr, $3  }
0x3a: {  	_ = 	snop  }
0x3b: {  	_ = 	snop  }
0x3c: {  	p2 =	seq.s32 s10, $0x1;
	s10 =	sld [smem:$0x3FAF]  }
0x3d: {  	_ =	shalt  }
0x3e: {  	_ =	shalt  }
0x3f: {  	_ =	shalt  }
0x40: {  	_ =	shalt  }
0x41: {  	_ =	shalt  }
0x42: {  	_ =	shalt  }
0x43: {  	_ =	shalt  }
0x44: {  	_ =	shalt  }
0x45: {  	_ =	shalt  }
0x46: {  	_ =	shalt  }
0x47: {  	_ =	shalt  }
0x48: {  	_ =	shalt  }
0x49: {  	_ =	shalt  }
0x4a: {  	_ =	shalt  }
0x4b: {  	_ =	shalt  }
0x4c: {  	_ =	shalt  }
0x4d: {  	_ =	shalt  }
0x4e: {  	_ =	shalt  }
0x4f: {  	_ =	shalt  }
0x50: {  	_ =	shalt  }
0x51: {  	_ =	shalt  }
0x52: {  	_ =	shalt  }
0x53: {  	_ =	shalt  }
0x54: {  	_ =	shalt  }
0x55: {  	_ =	shalt  }
0x56: {  	_ =	shalt  }
0x57: {  	_ =	shalt  }
0x58: {  	_ =	shalt  }
0x59: {  	_ =	shalt  }
0x5a: {  	_ =	shalt  }
0x5b: {  	_ =	shalt  }
0x5c: {  	_ =	shalt  }
0x5d: {  	_ =	shalt  }
0x5e: {  	_ =	shalt  }
0x5f: {  	_ =	shalt  }
0x60: {  	_ =	shalt  }
0x61: {  	_ =	shalt  }
0x62: {  	_ =	shalt  }
0x63: {  	_ =	shalt  }
0x64: {  	_ =	shalt  }
0x65: {  	_ =	shalt  }
0x66: {  	_ =	shalt  }
0x67: {  	_ =	shalt  }
0x68: {  	_ =	shalt  }
0x69: {  	_ =	shalt  }
0x6a: {  	_ =	shalt  }
0x6b: {  	_ =	shalt  }
0x6c: {  	_ =	shalt  }
0x6d: {  	_ =	shalt  }
0x6e: {  	_ =	shalt  }
0x6f: {  	_ =	shalt  }
0x70: {  	_ =	shalt  }
0x71: {  	_ =	shalt  }
0x72: {  	_ =	shalt  }
0x73: {  	_ =	shalt  }
0x74: {  	_ =	shalt  }
0x75: {  	_ =	shalt  }
0x76: {  	_ =	shalt  }
0x77: {  	_ =	shalt  }
0x78: {  	_ =	shalt  }
0x79: {  	_ =	shalt  }
0x7a: {  	_ =	shalt  }
0x7b: {  	_ =	shalt  }
0x7c: {  	_ =	shalt  }
0x7d: {  	_ =	shalt  }
0x7e: {  	_ =	shalt  }
0x7f: {  	_ =	shalt  }
0x80: {  	_ =	shalt  }
0x81: {  	_ =	shalt  }
0x82: {  	_ =	shalt  }
0x83: {  	_ =	shalt  }
0x84: {  	_ =	shalt  }
0x85: {  	_ =	shalt  }
0x86: {  	_ =	shalt  }
0x87: {  	_ =	shalt  }
.Lfunc_end0:
.L_simem_size_0:
called_computation_lowered:
.L_overlay_start_0:
0x88: {  	s2 =	sld [smem:$0x3FD9]  }
0x89: {  	s3 =	sld [smem:$0x3FFE];
	_ =	sdelay $0x1  }
0x8a: {  	s1 =	srdreg.scid  }
0x8b: {  	s0 =	sand.u32 $0x1, s1  }
0x8c: {  	s16 =	sshll.u32 s0, $0xA;
	s2 =	sadd.s32 s3, s2  }
0x8d: {  	s2 =	sadd.s32 s2, s16  }
0x8e: {  	[smem:$0x3FBB] =	sst s2  }
0x8f: {  	_ = 	snop  }
0x90: {  	(tm) =	ssettm $0x1  }
0x91: {  	s17 =	sld [smem:$0x3FFB];
	_ =	sdelay $0x3  }
0x92: {  	_ =	strace s17  }
0x93: {  	s2 =	sld [smem:$0x3FFC];
	_ =	sdelay $0x3  }
0x94: {  	_ =	strace s2  }
0x95: {  	s2 =	sld [smem:$0x3FFD];
	_ =	sdelay $0x3  }
0x96: {  	_ =	strace s2  }
0x97: {  	_ =	strace $0x8FFFFFFF  }
0x98: {  	s18 =	sld [smem:$0x3FDB];
	_ =	sdelay $0x1  }
0x99: {  	s19 =	simm.s32 $_scs_section_size  }
0x9a: {  	s4 =	simm.s32 $_size__tile_overlayer_lowered;
	s5 =	simm.s32 $_tile_overlayer_lowered  }
0x9b: {  	s22 =	simm.s32 $0x1BFF;
	s21 =	sshll.u32 s5, $0x1;
	s2 =	sadd.s32 s19, s18  }
0x9c: {  	s6 =	simm.s32 $0x0;
	s20 =	sshll.u32 s4, $0x1;
	s4 =	sadd.s32 s21, s2  }
0x9d: {  	[timem:s6], [sflag:s22] =	dma.local [hbm:s4], s20  }
0x9e: {  	_ =	swait.ge [sflag:s22], s20  }
0x9f: {  	s3 =	ssub.s32 $0x0, s20;
	[sflag:s22] =	ssyncset.done $0x0  }
0xa0: {  	[sflag:s22] =	ssyncadd.s32 s3;
	_ =	sdelay $0x1  }
0xa1: {  	s23 =	simm.s32 $0x1B8B  }
0xa2: {  	_ =	swait.ge [sflag:s23], $0x1  }
0xa3: {  	[sflag:s23] =	ssyncset.done $0x0  }
0xa4: {  	s25 =	simm.s32 $0x1B8E;
	s24 =	sld [smem:$0x3FFE];
	[sflag:s23] =	ssyncadd.s32 $0xFFFFFFFF  }
0xa5: {  	s26 =	simm.s32 $execute0_lowered;
	[smem:$0x3FD2] =	sst s25  }
0xa6: {  	s4 =	sshll.u32 s26, $0x1;
	_ =	strace $0x80000046;
	[dreg:$0x1] =	wrdreg $0xFFFFFFFF  }
0xa7: {  	s28 =	simm.s32 $_size_execute0_lowered;
	s2 =	sadd.s32 s2, s4;
	[dreg:$0x0] =	wrdreg $0x0  }
0xa8: {  	s4 =	sshll.u32 s28, $0x1;
	[dreg:$0x2] =	wrdreg s2  }
0xa9: {  	[dreg:$0x3] =	wrdreg s4  }
0xaa: {  	[dreg:$0x4] =	wrdreg $0xC0  }
0xab: {  	_ =	task [dreg:s6], $0x5FFFF  }
0xac: {  	[dreg:$0x1] =	wrdreg $0xFFFFFFFF  }
0xad: {  	[dreg:$0x0] =	wrdreg $0x60  }
0xae: {  	[dreg:$0x2] =	wrdreg s24  }
0xaf: {  	[dreg:$0x3] =	wrdreg $0x9  }
0xb0: {  	_ =	task.clear_ibuf [dreg:s6], $0x4FFFF;
	_ =	strace $0x90000046  }
0xb1: {  	s29 =	simm.s32 $0x9;
	_ =	strace $0x80000048  }
0xb2: {  	_ =	swait.ge [sflag:s29], $0x1  }
0xb3: {  	[sflag:s29] =	ssyncadd.s32 $0xFFFFFFFF  }
0xb4: {  	_ =	strace $0x90000048  }
0xb5: {  	_ =	sfence  }
0xb6: {  	s30 =	sld [smem:$0x0];
	_ =	sdelay $0x2  }
0xb7: {  	s31 =	sshll.u32 s1, $0xD;
	s1 =	sshrl.u32 s1, $0x2  }
0xb8: {  	s3 =	sand.u32 $0x4000, s31;
	s1 =	sadd.s32 s1, s30  }
0xb9: {  	s0 =	sor.u32 s3, s0;
	s1 =	sshll.u32 s1, $0x11  }
0xba: {  	s0 =	sor.u32 s1, s0  }
0xbb: {  	s0 =	sadd.s32 $0x8F2B, s0  }
0xbc: {  	[sflag:s0] =	ssyncadd.remote.s32 $0x1  }
0xbd: {  	_ =	sfence.sel $0xFFFF  }
0xbe: {  	[dreg:$0x0] =	wrdreg $0xFFFFFFFF;
	(pc) =	sbr.abs _section_cstart, $3  }
0xbf: {  	[dreg:$0x1] =	wrdreg $0xFFFFFFFF  }
0xc0: {  	_ =	task.clear_ibuf [dreg:s6], $0x2FFFF;
	_ =	strace $0x9FFFFFFF  }
0xc1: {  	(tm) =	ssettm $0x7FFFFFFF  }
tec
execute0_lowered:
.L_overlay_start_1:
0x0: {  	(tag) =	ssettag $0x1  }
0x1: {  	s0 =	srdreg.scid  }
0x2: {  	s2 =	stileid.u32;
	s1 =	rddreg [dreg:$0x0];
	s16 =	simm.s32 $0x7  }
0x3: {  	s18 =	simm.s32 $0x50;
	s19 =	simm.s32 $0x4F00;
	s20 =	simm.s32 $0x9F00  }
0x4: {  	s21 =	simm.s32 $0x1;
	s29 =	simm.s32 $0xEF00;
	s30 =	simm.s32 $0x2  }
0x5: {  	s31 =	simm.s32 $0x4;
	s0 =	sand.u32 $0x1, s0;
	s3 =	sshll.u32 s2, $0x1  }
0x6: {  	s28 =	simm.s32 $0x6;
	s2 =	simm.s32 $0x0;
	s7 =	sor.u32 s0, s3  }
0x7: {  	s4 =	sadd.s32 $0x15400, s1;
	s5 =	sadd.s32 $0x3C600, s1;
	s3 =	smul.u32 $0x2710, s7  }
0x8: {  	[smem:$0x7FF] =	sst s2;
	s0 =	ssub.s32 $0x2, s0;
	s8 =	smul.u32 $0x138800, s7  }
0x9: {  	_ =	strace $0x80000047;
	s22 =	sshrl.u32 s0, $0x1;
	s23 =	smul.u32 $0x27100, s7  }
0xa: {  	s0 =	ssub.s32 s0, s22;
	s22 =	simm.s32 $0x3;
	s6 =	sshrl.u32 s3, $0x3  }
0xb: {  	s24 =	sshrl.u32 s8, $0x3;
	s11 =	sadd.s32 $0x50, s3;
	s9 =	sadd.s32 s6, s1  }
0xc: {  	s15 =	smax.u32 s0, $0x1;
	s6 =	sadd.s32 $0x63800, s1;
	s25 =	sadd.s32 $0xB600, s9  }
0xd: {  	s26 =	sadd.s32 $0x1800, s9;
	s7 =	sadd.s32 s6, s24;
	[dreg:$0x2] =	wrdreg s25  }
0xe: {  	s1 =	sadd.s32 s6, s23;
	s23 =	simm.s32 $0x7700;
	[dreg:$0x3] =	wrdreg s26  }
0xf: {  	s24 =	simm.s32 $0x11700;
	[dreg:$0x4] =	wrdreg s1;
	s10 =	sadd.s32 $0x500, s7  }
0x10: {  	s12 =	sadd.s32 $0x26200, s7;
	s13 =	sadd.s32 $0x26700, s7;
	s14 =	sadd.s32 $0x26C00, s7  }
0x11: {  	s25 =	simm.s32 $0xC700;
	s26 =	simm.s32 $0x5;
	s1 =	simm.s32 $0x0  }
.LBB2_1:
0x12: {  	s0 =	rddreg [dreg:$0x2]  }
0x13: {  	[tilespmem:s2], [sflag:$0x7] =	stream.linear.gather [hbm4b:s0+s2], $0x2710, $0x38;
	[tilespmem:$0x13F00] =	vst v63  }
0x14: {  	_ =	swait.ge [sflag:s16], $0x2710  }
0x15: {  	[sflag:s16] =	ssyncset.done $0x0  }
0x16: {  	s7 =	simm.s32 $0x2780;
	s9 =	rddreg [dreg:$0x3];
	[sflag:s16] =	ssyncadd.s32 $0xFFFFD8F0  }
0x17: {  	[tilespmem:s7], [sflag:$0x7] =	stream.linear.gather [hbm4b:s9+s2], $0x2710, $0x38;
	[tilespmem:$0x13F00] =	vst v63  }
0x18: {  	_ =	swait.ge [sflag:s16], $0x2710  }
0x19: {  	[sflag:s16] =	ssyncset.done $0x0  }
0x1a: {  	[sflag:s16] =	ssyncadd.s32 $0xFFFFD8F0  }
0x1b: {  	[tilespmem:s19], [sflag:$0x1] =	stream.indirect.gather [hbm4b:s4+s18], $0x80, s2, s18, $0xb8;
	[tilespmem:$0x13F00] =	vst v63  }
0x1c: {  	_ = 	snop  }
0x1d: {  	[tilespmem:s20], [sflag:$0x3] =	stream.indirect.gather [hbm4b:s5+s18], $0x80, s7, s18, $0xb8;
	[tilespmem:$0x13F00] =	vst v63  }
0x1e: {  	_ =	swait.ge [sflag:s21], $0x2800  }
0x1f: {  	[sflag:s21] =	ssyncset.done $0x0  }
0x20: {  	[sflag:s21] =	ssyncadd.s32 $0xFFFFD800  }
0x21: {  	_ =	swait.ge [sflag:s22], $0x2800  }
0x22: {  	[sflag:s22] =	ssyncset.done $0x0  }
0x23: {  	[sflag:s22] =	ssyncadd.s32 $0xFFFFD800  }
0x24: {  	[tilespmem:s23], [sflag:$0x2] =	stream.indirect.gather [hbm4b:s4+s18], $0x80, s18, s18, $0xb8;
	[tilespmem:$0x13F00] =	vst v63  }
0x25: {  	s17 =	simm.s32 $0x27D0;
	s0 =	simm.s32 $0x0  }
0x26: {  	[tilespmem:s25], [sflag:$0x4] =	stream.indirect.gather [hbm4b:s5+s18], $0x80, s17, s18, $0xb8;
	[tilespmem:$0x13F00] =	vst v63  }
0x27: {  	v0 =	vld [tilespmem:s0+$0x4F70]  }
0x28: {  	v1 =	vld [tilespmem:s0+$0x4F30]  }
0x29: {  	v2 =	vld [tilespmem:s0+$0x9F30]  }
0x2a: {  	v3 =	vld [tilespmem:s0+$0x9F70]  }
0x2b: {  	v5 =	vld [tilespmem:s0+$0x4F00]  }
0x2c: {  	v6 =	vld [tilespmem:s0+$0x9F00]  }
0x2d: {  	v7 =	vld [tilespmem:s0+$0x4F10]  }
0x2e: {  	v8 =	vld [tilespmem:s0+$0x9F10]  }
0x2f: {  	v9 =	vld [tilespmem:s0+$0x4F20];
	v1 =	vadd.f32 v2, v1  }
0x30: {  	v10 =	vld [tilespmem:s0+$0x4F40];
	v0 =	vadd.f32 v3, v0  }
0x31: {  	v3 =	vld [tilespmem:s0+$0x9F20];
	v1 =	vmax.f32 v1, $0.0e+00  }
0x32: {  	v11 =	vld [tilespmem:s0+$0x9F40];
	v0 =	vadd.f32 v0, v1  }
0x33: {  	v4 =	vld [tilespmem:s0+$0x9F50]  }
0x34: {  	v1 =	vld [tilespmem:s0+$0x4F50];
	v0 =	vmax.f32 v0, $0.0e+00  }
0x35: {  	v2 =	vld [tilespmem:s0+$0x4F60];
	[tilespmem:s0+$0xEF30] =	vst v0;
	v0 =	vadd.f32 v6, v5  }
0x36: {  	s7 =	simm.s32 $0x80;
	v3 =	vadd.f32 v3, v9;
	v5 =	vadd.f32 v8, v7;
	v6 =	vld [tilespmem:s0+$0x9F60]  }
0x37: {  	v9 =	vadd.f32 v11, v10;
	v8 =	vmax.f32 v0, $0.0e+00;
	v0 =	vld [tilespmem:s7+$0x4F70]  }
0x38: {  	s8 =	simm.s32 $0x400;
	v7 =	vmax.f32 v5, $0.0e+00;
	v5 =	vmax.f32 v3, $0.0e+00;
	v3 =	vld [tilespmem:s7+$0x4F30]  }
.LBB2_2:
0x39: {  	p0 =	sne.s32 s8, $0x9E00;
	v10 =	vld [tilespmem:s7+$0x9F30];
	v8 =	vadd.f32 v9, v8;
	v1 =	vadd.f32 v4, v1  }
0x3a: {  	v4 =	vld [tilespmem:s7+$0x9F70]  }
0x3b: {  	v9 =	vld [tilespmem:s7+$0x4F00];
	v8 =	vmax.f32 v8, $0.0e+00;
	v1 =	vadd.f32 v1, v7;
	v2 =	vadd.f32 v6, v2  }
0x3c: {  	v6 =	vld [tilespmem:s7+$0x9F00];
	[tilespmem:s0+$0xEF00] =	vst v8  }
0x3d: {  	v7 =	vld [tilespmem:s7+$0x4F10];
	v1 =	vmax.f32 v1, $0.0e+00;
	v2 =	vadd.f32 v2, v5  }
0x3e: {  	v5 =	vld [tilespmem:s7+$0x9F10];
	v3 =	vadd.f32 v10, v3;
	[tilespmem:s0+$0xEF10] =	vst v1  }
0x3f: {  	v10 =	vld [tilespmem:s7+$0x4F20];
	v0 =	vadd.f32 v4, v0;
	v1 =	vmax.f32 v2, $0.0e+00  }
0x40: {  	v2 =	vld [tilespmem:s7+$0x9F20];
	v3 =	vmax.f32 v3, $0.0e+00;
	[tilespmem:s0+$0xEF20] =	vst v1;
	s0 =	smov.u32 s7  }
0x41: {  	v1 =	vadd.f32 v6, v9;
	v9 =	vld [tilespmem:s0+$0x4F40];
	v0 =	vadd.f32 v0, v3  }
0x42: {  	v3 =	vld [tilespmem:s0+$0x9F40]  }
0x43: {  	v8 =	vmax.f32 v1, $0.0e+00;
	v5 =	vadd.f32 v5, v7;
	v1 =	vld [tilespmem:s0+$0x4F50];
	v0 =	vmax.f32 v0, $0.0e+00  }
.Ltmp0:
0x44: {  	v4 =	vld [tilespmem:s0+$0x9F50];
	[tilespmem:s0+$0xEF30] =	vst v0;
	(pc) =	sbr.rel @p0 .LBB2_2-.Ltmp0, $4  }
0x45: {  	v7 =	vmax.f32 v5, $0.0e+00;
	v5 =	vadd.f32 v2, v10;
	v2 =	vld [tilespmem:s0+$0x4F60]  }
0x46: {  	s7 =	sshra.s32 s8, $0x2;
	v6 =	vld [tilespmem:s0+$0x9F60]  }
0x47: {  	v0 =	vld [tilespmem:s7+$0x4F70];
	v9 =	vadd.f32 v3, v9;
	v5 =	vmax.f32 v5, $0.0e+00  }
0x48: {  	s8 =	sadd.s32 $0x200, s8;
	v3 =	vld [tilespmem:s7+$0x4F30]  }
0x49: {  	v10 =	vld [tilespmem:s7+$0x9F30];
	v8 =	vadd.f32 v9, v8;
	v1 =	vadd.f32 v4, v1  }
0x4a: {  	v9 =	vld [tilespmem:s7+$0x9F70]  }
0x4b: {  	v4 =	vld [tilespmem:s7+$0x4F00];
	v8 =	vmax.f32 v8, $0.0e+00;
	v1 =	vadd.f32 v1, v7;
	v2 =	vadd.f32 v6, v2  }
0x4c: {  	v11 =	vld [tilespmem:s7+$0x9F00];
	[tilespmem:s0+$0xEF00] =	vst v8  }
0x4d: {  	v6 =	vld [tilespmem:s7+$0x4F10];
	v1 =	vmax.f32 v1, $0.0e+00;
	v2 =	vadd.f32 v2, v5  }
0x4e: {  	v7 =	vld [tilespmem:s7+$0x9F10];
	[tilespmem:s0+$0xEF10] =	vst v1  }
0x4f: {  	v3 =	vadd.f32 v10, v3;
	v1 =	vld [tilespmem:s7+$0x4F20];
	v2 =	vmax.f32 v2, $0.0e+00  }
0x50: {  	v0 =	vadd.f32 v9, v0;
	v5 =	vld [tilespmem:s7+$0x9F20];
	[tilespmem:s0+$0xEF20] =	vst v2  }
0x51: {  	v2 =	vmax.f32 v3, $0.0e+00;
	v3 =	vld [tilespmem:s7+$0x4F40]  }
0x52: {  	v0 =	vadd.f32 v0, v2;
	v2 =	vld [tilespmem:s7+$0x9F40]  }
0x53: {  	v8 =	vld [tilespmem:s7+$0x4F50]  }
0x54: {  	v9 =	vld [tilespmem:s7+$0x9F50]  }
0x55: {  	v10 =	vld [tilespmem:s7+$0x9F60];
	v0 =	vmax.f32 v0, $0.0e+00  }
0x56: {  	[tilespmem:s7+$0xEF30] =	vst v0;
	v0 =	vld [tilespmem:s7+$0x4F60];
	_ =	sdelay $0x1  }
0x57: {  	v4 =	vadd.f32 v11, v4  }
0x58: {  	v6 =	vadd.f32 v7, v6;
	v2 =	vadd.f32 v2, v3  }
0x59: {  	v1 =	vadd.f32 v5, v1;
	v3 =	vmax.f32 v4, $0.0e+00;
	v4 =	vadd.f32 v9, v8  }
0x5a: {  	v5 =	vmax.f32 v6, $0.0e+00;
	v2 =	vadd.f32 v2, v3;
	v0 =	vadd.f32 v10, v0  }
0x5b: {  	v1 =	vmax.f32 v1, $0.0e+00;
	v3 =	vadd.f32 v4, v5  }
0x5c: {  	v2 =	vmax.f32 v2, $0.0e+00;
	v0 =	vadd.f32 v0, v1  }
0x5d: {  	[tilespmem:s7+$0xEF00] =	vst v2;
	v1 =	vmax.f32 v3, $0.0e+00  }
0x5e: {  	[tilespmem:s7+$0xEF10] =	vst v1;
	v0 =	vmax.f32 v0, $0.0e+00  }
0x5f: {  	[tilespmem:s7+$0xEF20] =	vst v0;
	s7 =	simm.s32 $0xA0  }
0x60: {  	[tilespmem:s19], [sflag:$0x1] =	stream.indirect.gather [hbm4b:s4+s18], $0x80, s7, s18, $0xb8;
	[tilespmem:$0x13F00] =	vst v63  }
0x61: {  	s8 =	simm.s32 $0x2820  }
0x62: {  	[tilespmem:s20], [sflag:$0x3] =	stream.indirect.gather [hbm4b:s5+s18], $0x80, s8, s18, $0xb8;
	[tilespmem:$0x13F00] =	vst v63  }
0x63: {  	s9 =	simm.s32 $0x0;
	s17 =	rddreg [dreg:$0x4]  }
0x64: {  	[hbm4b:s17+s9] =	stream.linear.scatter [tilespmem:s29], [sflag:$0x5], $0x2800, $0x38;
	[tilespmem:$0x13F00] =	vst v63  }
0x65: {  	_ =	swait.ge [sflag:s30], $0x2800  }
0x66: {  	[sflag:s30] =	ssyncset.done $0x0  }
0x67: {  	[sflag:s30] =	ssyncadd.s32 $0xFFFFD800  }
0x68: {  	_ =	swait.ge [sflag:s31], $0x2800  }
0x69: {  	[sflag:s31] =	ssyncset.done $0x0  }
0x6a: {  	s0 =	simm.s32 $0x0;
	[sflag:s31] =	ssyncadd.s32 $0xFFFFD800  }
0x6b: {  	v0 =	vld [tilespmem:s0+$0x7770]  }
0x6c: {  	v1 =	vld [tilespmem:s0+$0x7730]  }
0x6d: {  	v2 =	vld [tilespmem:s0+$0xC730]  }
0x6e: {  	v3 =	vld [tilespmem:s0+$0xC770]  }
0x6f: {  	v5 =	vld [tilespmem:s0+$0x7700]  }
0x70: {  	v6 =	vld [tilespmem:s0+$0xC700]  }
0x71: {  	v7 =	vld [tilespmem:s0+$0x7710]  }
0x72: {  	v8 =	vld [tilespmem:s0+$0xC710]  }
0x73: {  	v9 =	vld [tilespmem:s0+$0x7720];
	v1 =	vadd.f32 v2, v1  }
0x74: {  	v10 =	vld [tilespmem:s0+$0x7740];
	v0 =	vadd.f32 v3, v0  }
0x75: {  	v3 =	vld [tilespmem:s0+$0xC720];
	v1 =	vmax.f32 v1, $0.0e+00  }
0x76: {  	v11 =	vld [tilespmem:s0+$0xC740];
	v0 =	vadd.f32 v0, v1  }
0x77: {  	v4 =	vld [tilespmem:s0+$0xC750]  }
0x78: {  	v1 =	vld [tilespmem:s0+$0x7750];
	v0 =	vmax.f32 v0, $0.0e+00  }
0x79: {  	v2 =	vld [tilespmem:s0+$0x7760];
	[tilespmem:s0+$0x11730] =	vst v0;
	v0 =	vadd.f32 v6, v5  }
0x7a: {  	s7 =	simm.s32 $0x80;
	v3 =	vadd.f32 v3, v9;
	v5 =	vadd.f32 v8, v7;
	v6 =	vld [tilespmem:s0+$0xC760]  }
0x7b: {  	v9 =	vadd.f32 v11, v10;
	v8 =	vmax.f32 v0, $0.0e+00;
	v0 =	vld [tilespmem:s7+$0x7770]  }
0x7c: {  	s8 =	simm.s32 $0x400;
	v7 =	vmax.f32 v5, $0.0e+00;
	v5 =	vmax.f32 v3, $0.0e+00;
	v3 =	vld [tilespmem:s7+$0x7730]  }
.LBB2_4:
0x7d: {  	p0 =	sne.s32 s8, $0x9E00;
	v10 =	vld [tilespmem:s7+$0xC730];
	v8 =	vadd.f32 v9, v8;
	v1 =	vadd.f32 v4, v1  }
0x7e: {  	v4 =	vld [tilespmem:s7+$0xC770]  }
0x7f: {  	v9 =	vld [tilespmem:s7+$0x7700];
	v8 =	vmax.f32 v8, $0.0e+00;
	v1 =	vadd.f32 v1, v7;
	v2 =	vadd.f32 v6, v2  }
0x80: {  	v6 =	vld [tilespmem:s7+$0xC700];
	[tilespmem:s0+$0x11700] =	vst v8  }
0x81: {  	v7 =	vld [tilespmem:s7+$0x7710];
	v1 =	vmax.f32 v1, $0.0e+00;
	v2 =	vadd.f32 v2, v5  }
0x82: {  	v5 =	vld [tilespmem:s7+$0xC710];
	v3 =	vadd.f32 v10, v3;
	[tilespmem:s0+$0x11710] =	vst v1  }
0x83: {  	v10 =	vld [tilespmem:s7+$0x7720];
	v0 =	vadd.f32 v4, v0;
	v1 =	vmax.f32 v2, $0.0e+00  }
0x84: {  	v2 =	vld [tilespmem:s7+$0xC720];
	v3 =	vmax.f32 v3, $0.0e+00;
	[tilespmem:s0+$0x11720] =	vst v1;
	s0 =	smov.u32 s7  }
0x85: {  	v1 =	vadd.f32 v6, v9;
	v9 =	vld [tilespmem:s0+$0x7740];
	v0 =	vadd.f32 v0, v3  }
0x86: {  	v3 =	vld [tilespmem:s0+$0xC740]  }
0x87: {  	v8 =	vmax.f32 v1, $0.0e+00;
	v5 =	vadd.f32 v5, v7;
	v1 =	vld [tilespmem:s0+$0x7750];
	v0 =	vmax.f32 v0, $0.0e+00  }
.Ltmp1:
0x88: {  	v4 =	vld [tilespmem:s0+$0xC750];
	[tilespmem:s0+$0x11730] =	vst v0;
	(pc) =	sbr.rel @p0 .LBB2_4-.Ltmp1, $4  }
0x89: {  	v7 =	vmax.f32 v5, $0.0e+00;
	v5 =	vadd.f32 v2, v10;
	v2 =	vld [tilespmem:s0+$0x7760]  }
0x8a: {  	s7 =	sshra.s32 s8, $0x2;
	v6 =	vld [tilespmem:s0+$0xC760]  }
0x8b: {  	v0 =	vld [tilespmem:s7+$0x7770];
	v9 =	vadd.f32 v3, v9;
	v5 =	vmax.f32 v5, $0.0e+00  }
0x8c: {  	s8 =	sadd.s32 $0x200, s8;
	v3 =	vld [tilespmem:s7+$0x7730]  }
0x8d: {  	v10 =	vld [tilespmem:s7+$0xC730];
	v8 =	vadd.f32 v9, v8;
	v1 =	vadd.f32 v4, v1  }
0x8e: {  	v48 =	vld [tilespmem:s7+$0xC770]  }
0x8f: {  	v49 =	vld [tilespmem:s7+$0x7700];
	v8 =	vmax.f32 v8, $0.0e+00;
	v1 =	vadd.f32 v1, v7;
	v2 =	vadd.f32 v6, v2  }
0x90: {  	v11 =	vld [tilespmem:s7+$0xC700];
	[tilespmem:s0+$0x11700] =	vst v8  }
0x91: {  	v50 =	vld [tilespmem:s7+$0x7710];
	v1 =	vmax.f32 v1, $0.0e+00;
	v2 =	vadd.f32 v2, v5  }
0x92: {  	v51 =	vld [tilespmem:s7+$0xC710];
	[tilespmem:s0+$0x11710] =	vst v1  }
0x93: {  	v1 =	vld [tilespmem:s7+$0x7720];
	v2 =	vmax.f32 v2, $0.0e+00  }
0x94: {  	v52 =	vld [tilespmem:s7+$0xC720];
	[tilespmem:s0+$0x11720] =	vst v2  }
0x95: {  	v54 =	vld [tilespmem:s7+$0x7740]  }
0x96: {  	v55 =	vld [tilespmem:s7+$0xC740]  }
0x97: {  	v8 =	vld [tilespmem:s7+$0x7750]  }
0x98: {  	v56 =	vld [tilespmem:s7+$0xC750]  }
0x99: {  	v3 =	vadd.f32 v10, v3;
	v57 =	vld [tilespmem:s7+$0x7760]  }
0x9a: {  	v0 =	vadd.f32 v48, v0;
	v58 =	vld [tilespmem:s7+$0xC760]  }
0x9b: {  	v4 =	vadd.f32 v11, v49;
	v53 =	vmax.f32 v3, $0.0e+00  }
0x9c: {  	v0 =	vadd.f32 v0, v53  }
0x9d: {  	v59 =	vmax.f32 v4, $0.0e+00;
	v6 =	vadd.f32 v51, v50;
	v2 =	vadd.f32 v55, v54  }
0x9e: {  	v0 =	vmax.f32 v0, $0.0e+00;
	v1 =	vadd.f32 v52, v1;
	v60 =	vadd.f32 v56, v8  }
0x9f: {  	[tilespmem:s7+$0x11730] =	vst v0;
	v61 =	vmax.f32 v6, $0.0e+00;
	v0 =	vadd.f32 v58, v57;
	v2 =	vadd.f32 v2, v59  }
0xa0: {  	v1 =	vmax.f32 v1, $0.0e+00;
	v62 =	vadd.f32 v60, v61  }
0xa1: {  	v0 =	vadd.f32 v0, v1;
	v2 =	vmax.f32 v2, $0.0e+00  }
0xa2: {  	v63 =	vmax.f32 v62, $0.0e+00;
	[tilespmem:s7+$0x11700] =	vst v2  }
0xa3: {  	v0 =	vmax.f32 v0, $0.0e+00;
	[tilespmem:s7+$0x11710] =	vst v63  }
0xa4: {  	s9 =	simm.s32 $0xF0;
	[tilespmem:s7+$0x11720] =	vst v0  }
0xa5: {  	[tilespmem:s23], [sflag:$0x2] =	stream.indirect.gather [hbm4b:s4+s18], $0x80, s9, s18, $0xb8;
	[tilespmem:$0x13F00] =	vst v63  }
0xa6: {  	s17 =	simm.s32 $0x2870  }
0xa7: {  	[tilespmem:s25], [sflag:$0x4] =	stream.indirect.gather [hbm4b:s5+s18], $0x80, s17, s18, $0xb8;
	[tilespmem:$0x13F00] =	vst v63  }
0xa8: {  	s0 =	simm.s32 $0x1  }
0xa9: {  	[hbm4b:s10+s2] =	stream.linear.scatter [tilespmem:s24], [sflag:$0x6], $0x2800, $0x38;
	[tilespmem:$0x13F00] =	vst v63  }
0xaa: {  	_ =	swait.ge [sflag:s0], $0x2800  }
0xab: {  	[sflag:s0] =	ssyncset.done $0x0  }
0xac: {  	[sflag:s0] =	ssyncadd.s32 $0xFFFFD800  }
0xad: {  	_ =	swait.ge [sflag:s22], $0x2800  }
0xae: {  	[sflag:s22] =	ssyncset.done $0x0  }
0xaf: {  	[sflag:s22] =	ssyncadd.s32 $0xFFFFD800  }
.LBB2_6:
0xb0: {  	_ =	swait.ge [sflag:s26], $0x2800  }
0xb1: {  	[sflag:s26] =	ssyncset.done $0x0  }
0xb2: {  	s17 =	simm.s32 $0x0;
	[sflag:s26] =	ssyncadd.s32 $0xFFFFD800  }
0xb3: {  	v0 =	vld [tilespmem:s17+$0x4F70]  }
0xb4: {  	v1 =	vld [tilespmem:s17+$0x4F30]  }
0xb5: {  	v2 =	vld [tilespmem:s17+$0x9F30]  }
0xb6: {  	v3 =	vld [tilespmem:s17+$0x9F70]  }
0xb7: {  	v5 =	vld [tilespmem:s17+$0x4F00]  }
0xb8: {  	v6 =	vld [tilespmem:s17+$0x9F00]  }
0xb9: {  	v7 =	vld [tilespmem:s17+$0x4F10]  }
0xba: {  	v8 =	vld [tilespmem:s17+$0x9F10]  }
0xbb: {  	v9 =	vld [tilespmem:s17+$0x4F20];
	v1 =	vadd.f32 v2, v1  }
0xbc: {  	v10 =	vld [tilespmem:s17+$0x4F40];
	v0 =	vadd.f32 v3, v0  }
0xbd: {  	v3 =	vld [tilespmem:s17+$0x9F20];
	v1 =	vmax.f32 v1, $0.0e+00  }
0xbe: {  	v11 =	vld [tilespmem:s17+$0x9F40];
	v0 =	vadd.f32 v0, v1  }
0xbf: {  	v4 =	vld [tilespmem:s17+$0x9F50]  }
0xc0: {  	v1 =	vld [tilespmem:s17+$0x4F50];
	v0 =	vmax.f32 v0, $0.0e+00  }
0xc1: {  	v2 =	vld [tilespmem:s17+$0x4F60];
	[tilespmem:s17+$0xEF30] =	vst v0;
	v0 =	vadd.f32 v6, v5  }
0xc2: {  	s7 =	simm.s32 $0x80;
	v3 =	vadd.f32 v3, v9;
	v5 =	vadd.f32 v8, v7;
	v6 =	vld [tilespmem:s17+$0x9F60]  }
0xc3: {  	v9 =	vadd.f32 v11, v10;
	v8 =	vmax.f32 v0, $0.0e+00;
	v0 =	vld [tilespmem:s7+$0x4F70]  }
0xc4: {  	s8 =	simm.s32 $0x400;
	v7 =	vmax.f32 v5, $0.0e+00;
	v5 =	vmax.f32 v3, $0.0e+00;
	v3 =	vld [tilespmem:s7+$0x4F30]  }
.LBB2_7:
0xc5: {  	p0 =	sne.s32 s8, $0x9E00;
	v10 =	vld [tilespmem:s7+$0x9F30];
	v8 =	vadd.f32 v9, v8;
	v1 =	vadd.f32 v4, v1  }
0xc6: {  	v4 =	vld [tilespmem:s7+$0x9F70]  }
0xc7: {  	v9 =	vld [tilespmem:s7+$0x4F00];
	v8 =	vmax.f32 v8, $0.0e+00;
	v1 =	vadd.f32 v1, v7;
	v2 =	vadd.f32 v6, v2  }
0xc8: {  	v6 =	vld [tilespmem:s7+$0x9F00];
	[tilespmem:s17+$0xEF00] =	vst v8  }
0xc9: {  	v7 =	vld [tilespmem:s7+$0x4F10];
	v1 =	vmax.f32 v1, $0.0e+00;
	v2 =	vadd.f32 v2, v5  }
0xca: {  	v5 =	vld [tilespmem:s7+$0x9F10];
	v3 =	vadd.f32 v10, v3;
	[tilespmem:s17+$0xEF10] =	vst v1  }
0xcb: {  	v10 =	vld [tilespmem:s7+$0x4F20];
	v0 =	vadd.f32 v4, v0;
	v1 =	vmax.f32 v2, $0.0e+00  }
0xcc: {  	v2 =	vld [tilespmem:s7+$0x9F20];
	v3 =	vmax.f32 v3, $0.0e+00;
	[tilespmem:s17+$0xEF20] =	vst v1;
	s17 =	smov.u32 s7  }
0xcd: {  	v1 =	vadd.f32 v6, v9;
	v9 =	vld [tilespmem:s17+$0x4F40];
	v0 =	vadd.f32 v0, v3  }
0xce: {  	v3 =	vld [tilespmem:s17+$0x9F40]  }
0xcf: {  	v8 =	vmax.f32 v1, $0.0e+00;
	v5 =	vadd.f32 v5, v7;
	v1 =	vld [tilespmem:s17+$0x4F50];
	v0 =	vmax.f32 v0, $0.0e+00  }
.Ltmp2:
0xd0: {  	v4 =	vld [tilespmem:s17+$0x9F50];
	[tilespmem:s17+$0xEF30] =	vst v0;
	(pc) =	sbr.rel @p0 .LBB2_7-.Ltmp2, $4  }
0xd1: {  	v7 =	vmax.f32 v5, $0.0e+00;
	v5 =	vadd.f32 v2, v10;
	v2 =	vld [tilespmem:s17+$0x4F60]  }
0xd2: {  	s7 =	sshra.s32 s8, $0x2;
	v6 =	vld [tilespmem:s17+$0x9F60]  }
0xd3: {  	v0 =	vld [tilespmem:s7+$0x4F70];
	v9 =	vadd.f32 v3, v9;
	v5 =	vmax.f32 v5, $0.0e+00  }
0xd4: {  	s8 =	sadd.s32 $0x200, s8;
	v3 =	vld [tilespmem:s7+$0x4F30]  }
0xd5: {  	v10 =	vld [tilespmem:s7+$0x9F30];
	v8 =	vadd.f32 v9, v8;
	v1 =	vadd.f32 v4, v1  }
0xd6: {  	v9 =	vld [tilespmem:s7+$0x9F70]  }
0xd7: {  	v4 =	vld [tilespmem:s7+$0x4F00];
	v8 =	vmax.f32 v8, $0.0e+00;
	v1 =	vadd.f32 v1, v7;
	v2 =	vadd.f32 v6, v2  }
0xd8: {  	v11 =	vld [tilespmem:s7+$0x9F00];
	[tilespmem:s17+$0xEF00] =	vst v8  }
0xd9: {  	v6 =	vld [tilespmem:s7+$0x4F10];
	v1 =	vmax.f32 v1, $0.0e+00;
	v2 =	vadd.f32 v2, v5  }
0xda: {  	v7 =	vld [tilespmem:s7+$0x9F10];
	[tilespmem:s17+$0xEF10] =	vst v1  }
0xdb: {  	v3 =	vadd.f32 v10, v3;
	v1 =	vld [tilespmem:s7+$0x4F20];
	v2 =	vmax.f32 v2, $0.0e+00  }
0xdc: {  	v0 =	vadd.f32 v9, v0;
	v5 =	vld [tilespmem:s7+$0x9F20];
	[tilespmem:s17+$0xEF20] =	vst v2  }
0xdd: {  	v2 =	vmax.f32 v3, $0.0e+00;
	v3 =	vld [tilespmem:s7+$0x4F40]  }
0xde: {  	v0 =	vadd.f32 v0, v2;
	v2 =	vld [tilespmem:s7+$0x9F40]  }
0xdf: {  	v8 =	vld [tilespmem:s7+$0x4F50]  }
0xe0: {  	v9 =	vld [tilespmem:s7+$0x9F50]  }
0xe1: {  	v10 =	vld [tilespmem:s7+$0x9F60];
	v0 =	vmax.f32 v0, $0.0e+00  }
0xe2: {  	[tilespmem:s7+$0xEF30] =	vst v0;
	v0 =	vld [tilespmem:s7+$0x4F60];
	_ =	sdelay $0x1  }
0xe3: {  	v4 =	vadd.f32 v11, v4  }
0xe4: {  	v6 =	vadd.f32 v7, v6;
	v2 =	vadd.f32 v2, v3  }
0xe5: {  	v1 =	vadd.f32 v5, v1;
	v3 =	vmax.f32 v4, $0.0e+00;
	v4 =	vadd.f32 v9, v8  }
0xe6: {  	v5 =	vmax.f32 v6, $0.0e+00;
	v2 =	vadd.f32 v2, v3;
	v0 =	vadd.f32 v10, v0  }
0xe7: {  	v1 =	vmax.f32 v1, $0.0e+00;
	v3 =	vadd.f32 v4, v5  }
0xe8: {  	v2 =	vmax.f32 v2, $0.0e+00;
	v0 =	vadd.f32 v0, v1  }
0xe9: {  	s17 =	smul.u32 $0xA0, s0;
	[tilespmem:s7+$0xEF00] =	vst v2;
	v1 =	vmax.f32 v3, $0.0e+00  }
0xea: {  	[tilespmem:s7+$0xEF10] =	vst v1;
	v0 =	vmax.f32 v0, $0.0e+00  }
0xeb: {  	s8 =	sadd.s32 $0xA0, s17;
	s9 =	sadd.s32 s3, s17;
	[tilespmem:s7+$0xEF20] =	vst v0  }
0xec: {  	[tilespmem:s19], [sflag:$0x1] =	stream.indirect.gather [hbm4b:s4+s18], $0x80, s8, s18, $0xb8;
	[tilespmem:$0x13F00] =	vst v63  }
0xed: {  	s7 =	sshll.u32 s9, $0x4;
	s8 =	sadd.s32 $0x2820, s17  }
0xee: {  	[tilespmem:s20], [sflag:$0x3] =	stream.indirect.gather [hbm4b:s5+s18], $0x80, s8, s18, $0xb8;
	[tilespmem:$0x13F00] =	vst v63  }
0xef: {  	s9 =	simm.s32 $0x0;
	s7 =	sadd.s32 s6, s7  }
0xf0: {  	[hbm4b:s7+s9] =	stream.linear.scatter [tilespmem:s29], [sflag:$0x5], $0x2800, $0x38;
	[tilespmem:$0x13F00] =	vst v63  }
0xf1: {  	_ =	swait.ge [sflag:s30], $0x2800  }
0xf2: {  	[sflag:s30] =	ssyncset.done $0x0  }
0xf3: {  	[sflag:s30] =	ssyncadd.s32 $0xFFFFD800  }
0xf4: {  	_ =	swait.ge [sflag:s31], $0x2800  }
0xf5: {  	[sflag:s31] =	ssyncset.done $0x0  }
0xf6: {  	[sflag:s31] =	ssyncadd.s32 $0xFFFFD800  }
0xf7: {  	_ =	swait.ge [sflag:s28], $0x2800  }
0xf8: {  	[sflag:s28] =	ssyncset.done $0x0  }
0xf9: {  	s7 =	simm.s32 $0x0;
	[sflag:s28] =	ssyncadd.s32 $0xFFFFD800  }
0xfa: {  	v0 =	vld [tilespmem:s7+$0x7770]  }
0xfb: {  	v1 =	vld [tilespmem:s7+$0x7730]  }
0xfc: {  	v2 =	vld [tilespmem:s7+$0xC730]  }
0xfd: {  	v3 =	vld [tilespmem:s7+$0xC770]  }
0xfe: {  	v5 =	vld [tilespmem:s7+$0x7700]  }
0xff: {  	v6 =	vld [tilespmem:s7+$0xC700]  }
0x100: {  	v7 =	vld [tilespmem:s7+$0x7710]  }
0x101: {  	v8 =	vld [tilespmem:s7+$0xC710]  }
0x102: {  	v9 =	vld [tilespmem:s7+$0x7720];
	v1 =	vadd.f32 v2, v1  }
0x103: {  	v10 =	vld [tilespmem:s7+$0x7740];
	v0 =	vadd.f32 v3, v0  }
0x104: {  	v3 =	vld [tilespmem:s7+$0xC720];
	v1 =	vmax.f32 v1, $0.0e+00  }
0x105: {  	v11 =	vld [tilespmem:s7+$0xC740];
	v0 =	vadd.f32 v0, v1  }
0x106: {  	v4 =	vld [tilespmem:s7+$0xC750]  }
0x107: {  	v1 =	vld [tilespmem:s7+$0x7750];
	v0 =	vmax.f32 v0, $0.0e+00  }
0x108: {  	v2 =	vld [tilespmem:s7+$0x7760];
	[tilespmem:s7+$0x11730] =	vst v0;
	v0 =	vadd.f32 v6, v5  }
0x109: {  	s8 =	simm.s32 $0x80;
	v3 =	vadd.f32 v3, v9;
	v5 =	vadd.f32 v8, v7;
	v6 =	vld [tilespmem:s7+$0xC760]  }
0x10a: {  	v9 =	vadd.f32 v11, v10;
	v8 =	vmax.f32 v0, $0.0e+00;
	v0 =	vld [tilespmem:s8+$0x7770]  }
0x10b: {  	s9 =	simm.s32 $0x400;
	v7 =	vmax.f32 v5, $0.0e+00;
	v5 =	vmax.f32 v3, $0.0e+00;
	v3 =	vld [tilespmem:s8+$0x7730]  }
.LBB2_9:
0x10c: {  	p0 =	sne.s32 s9, $0x9E00;
	v10 =	vld [tilespmem:s8+$0xC730];
	v8 =	vadd.f32 v9, v8;
	v1 =	vadd.f32 v4, v1  }
0x10d: {  	v4 =	vld [tilespmem:s8+$0xC770]  }
0x10e: {  	v9 =	vld [tilespmem:s8+$0x7700];
	v8 =	vmax.f32 v8, $0.0e+00;
	v1 =	vadd.f32 v1, v7;
	v2 =	vadd.f32 v6, v2  }
0x10f: {  	v6 =	vld [tilespmem:s8+$0xC700];
	[tilespmem:s7+$0x11700] =	vst v8  }
0x110: {  	v7 =	vld [tilespmem:s8+$0x7710];
	v1 =	vmax.f32 v1, $0.0e+00;
	v2 =	vadd.f32 v2, v5  }
0x111: {  	v5 =	vld [tilespmem:s8+$0xC710];
	v3 =	vadd.f32 v10, v3;
	[tilespmem:s7+$0x11710] =	vst v1  }
0x112: {  	v10 =	vld [tilespmem:s8+$0x7720];
	v0 =	vadd.f32 v4, v0;
	v1 =	vmax.f32 v2, $0.0e+00  }
0x113: {  	v2 =	vld [tilespmem:s8+$0xC720];
	v3 =	vmax.f32 v3, $0.0e+00;
	[tilespmem:s7+$0x11720] =	vst v1;
	s7 =	smov.u32 s8  }
0x114: {  	v1 =	vadd.f32 v6, v9;
	v9 =	vld [tilespmem:s7+$0x7740];
	v0 =	vadd.f32 v0, v3  }
0x115: {  	v3 =	vld [tilespmem:s7+$0xC740]  }
0x116: {  	v8 =	vmax.f32 v1, $0.0e+00;
	v5 =	vadd.f32 v5, v7;
	v1 =	vld [tilespmem:s7+$0x7750];
	v0 =	vmax.f32 v0, $0.0e+00  }
.Ltmp3:
0x117: {  	v4 =	vld [tilespmem:s7+$0xC750];
	[tilespmem:s7+$0x11730] =	vst v0;
	(pc) =	sbr.rel @p0 .LBB2_9-.Ltmp3, $4  }
0x118: {  	v7 =	vmax.f32 v5, $0.0e+00;
	v5 =	vadd.f32 v2, v10;
	v2 =	vld [tilespmem:s7+$0x7760]  }
0x119: {  	s8 =	sshra.s32 s9, $0x2;
	v6 =	vld [tilespmem:s7+$0xC760]  }
0x11a: {  	v0 =	vld [tilespmem:s8+$0x7770];
	v9 =	vadd.f32 v3, v9;
	v5 =	vmax.f32 v5, $0.0e+00  }
0x11b: {  	s9 =	sadd.s32 $0x200, s9;
	v3 =	vld [tilespmem:s8+$0x7730]  }
0x11c: {  	v10 =	vld [tilespmem:s8+$0xC730];
	v8 =	vadd.f32 v9, v8;
	v1 =	vadd.f32 v4, v1  }
0x11d: {  	v48 =	vld [tilespmem:s8+$0xC770]  }
0x11e: {  	v49 =	vld [tilespmem:s8+$0x7700];
	v8 =	vmax.f32 v8, $0.0e+00;
	v1 =	vadd.f32 v1, v7;
	v2 =	vadd.f32 v6, v2  }
0x11f: {  	v11 =	vld [tilespmem:s8+$0xC700];
	[tilespmem:s7+$0x11700] =	vst v8  }
0x120: {  	v50 =	vld [tilespmem:s8+$0x7710];
	v1 =	vmax.f32 v1, $0.0e+00;
	v2 =	vadd.f32 v2, v5  }
0x121: {  	v51 =	vld [tilespmem:s8+$0xC710];
	[tilespmem:s7+$0x11710] =	vst v1  }
0x122: {  	v1 =	vld [tilespmem:s8+$0x7720];
	v2 =	vmax.f32 v2, $0.0e+00  }
0x123: {  	v52 =	vld [tilespmem:s8+$0xC720];
	[tilespmem:s7+$0x11720] =	vst v2  }
0x124: {  	v54 =	vld [tilespmem:s8+$0x7740]  }
0x125: {  	v55 =	vld [tilespmem:s8+$0xC740]  }
0x126: {  	v8 =	vld [tilespmem:s8+$0x7750]  }
0x127: {  	v56 =	vld [tilespmem:s8+$0xC750]  }
0x128: {  	v3 =	vadd.f32 v10, v3;
	v57 =	vld [tilespmem:s8+$0x7760]  }
0x129: {  	v0 =	vadd.f32 v48, v0;
	v58 =	vld [tilespmem:s8+$0xC760]  }
0x12a: {  	v4 =	vadd.f32 v11, v49;
	v53 =	vmax.f32 v3, $0.0e+00  }
0x12b: {  	v0 =	vadd.f32 v0, v53  }
0x12c: {  	v59 =	vmax.f32 v4, $0.0e+00;
	v6 =	vadd.f32 v51, v50;
	v2 =	vadd.f32 v55, v54  }
0x12d: {  	v0 =	vmax.f32 v0, $0.0e+00;
	v1 =	vadd.f32 v52, v1;
	v60 =	vadd.f32 v56, v8  }
0x12e: {  	[tilespmem:s8+$0x11730] =	vst v0;
	v61 =	vmax.f32 v6, $0.0e+00;
	v0 =	vadd.f32 v58, v57;
	v2 =	vadd.f32 v2, v59  }
0x12f: {  	v1 =	vmax.f32 v1, $0.0e+00;
	v62 =	vadd.f32 v60, v61  }
0x130: {  	v0 =	vadd.f32 v0, v1;
	v2 =	vmax.f32 v2, $0.0e+00  }
0x131: {  	v63 =	vmax.f32 v62, $0.0e+00;
	[tilespmem:s8+$0x11700] =	vst v2  }
0x132: {  	v0 =	vmax.f32 v0, $0.0e+00;
	[tilespmem:s8+$0x11710] =	vst v63  }
0x133: {  	s9 =	sadd.s32 s17, s11;
	[tilespmem:s8+$0x11720] =	vst v0;
	s8 =	sadd.s32 $0xF0, s17  }
0x134: {  	[tilespmem:s23], [sflag:$0x2] =	stream.indirect.gather [hbm4b:s4+s18], $0x80, s8, s18, $0xb8;
	[tilespmem:$0x13F00] =	vst v63  }
0x135: {  	s7 =	sshll.u32 s9, $0x4;
	s17 =	sadd.s32 $0x2870, s17  }
0x136: {  	[tilespmem:s25], [sflag:$0x4] =	stream.indirect.gather [hbm4b:s5+s18], $0x80, s17, s18, $0xb8;
	[tilespmem:$0x13F00] =	vst v63  }
0x137: {  	s0 =	sadd.s32 $0x1, s0;
	s7 =	sadd.s32 s6, s7  }
0x138: {  	[hbm4b:s7+s2] =	stream.linear.scatter [tilespmem:s24], [sflag:$0x6], $0x2800, $0x38;
	[tilespmem:$0x13F00] =	vst v63  }
0x139: {  	p0 =	sne.s32 s0, $0x3D;
	_ =	swait.ge [sflag:s21], $0x2800  }
.Ltmp4:
0x13a: {  	[sflag:s21] =	ssyncset.done $0x0;
	(pc) =	sbr.rel @p0 .LBB2_6-.Ltmp4, $4  }
0x13b: {  	[sflag:s21] =	ssyncadd.s32 $0xFFFFD800  }
0x13c: {  	_ =	swait.ge [sflag:s22], $0x2800  }
0x13d: {  	[sflag:s22] =	ssyncset.done $0x0  }
0x13e: {  	[sflag:s22] =	ssyncadd.s32 $0xFFFFD800  }
0x13f: {  	_ =	swait.ge [sflag:s26], $0x2800  }
0x140: {  	[sflag:s26] =	ssyncset.done $0x0  }
0x141: {  	s0 =	simm.s32 $0x0;
	[sflag:s26] =	ssyncadd.s32 $0xFFFFD800  }
0x142: {  	v0 =	vld [tilespmem:s0+$0x4F70]  }
0x143: {  	v1 =	vld [tilespmem:s0+$0x4F30]  }
0x144: {  	v2 =	vld [tilespmem:s0+$0x9F30]  }
0x145: {  	v3 =	vld [tilespmem:s0+$0x9F70]  }
0x146: {  	v5 =	vld [tilespmem:s0+$0x4F00]  }
0x147: {  	v6 =	vld [tilespmem:s0+$0x9F00]  }
0x148: {  	v7 =	vld [tilespmem:s0+$0x4F10]  }
0x149: {  	v8 =	vld [tilespmem:s0+$0x9F10]  }
0x14a: {  	v9 =	vld [tilespmem:s0+$0x4F20];
	v1 =	vadd.f32 v2, v1  }
0x14b: {  	v10 =	vld [tilespmem:s0+$0x4F40];
	v0 =	vadd.f32 v3, v0  }
0x14c: {  	v3 =	vld [tilespmem:s0+$0x9F20];
	v1 =	vmax.f32 v1, $0.0e+00  }
0x14d: {  	v11 =	vld [tilespmem:s0+$0x9F40];
	v0 =	vadd.f32 v0, v1  }
0x14e: {  	v4 =	vld [tilespmem:s0+$0x9F50]  }
0x14f: {  	v1 =	vld [tilespmem:s0+$0x4F50];
	v0 =	vmax.f32 v0, $0.0e+00  }
0x150: {  	v2 =	vld [tilespmem:s0+$0x4F60];
	[tilespmem:s0+$0xEF30] =	vst v0;
	v0 =	vadd.f32 v6, v5  }
0x151: {  	s7 =	simm.s32 $0x80;
	v3 =	vadd.f32 v3, v9;
	v5 =	vadd.f32 v8, v7;
	v6 =	vld [tilespmem:s0+$0x9F60]  }
0x152: {  	v9 =	vadd.f32 v11, v10;
	v8 =	vmax.f32 v0, $0.0e+00;
	v0 =	vld [tilespmem:s7+$0x4F70]  }
0x153: {  	s8 =	simm.s32 $0x400;
	v7 =	vmax.f32 v5, $0.0e+00;
	v5 =	vmax.f32 v3, $0.0e+00;
	v3 =	vld [tilespmem:s7+$0x4F30]  }
.LBB2_12:
0x154: {  	p0 =	sne.s32 s8, $0x9E00;
	v10 =	vld [tilespmem:s7+$0x9F30];
	v8 =	vadd.f32 v9, v8;
	v1 =	vadd.f32 v4, v1  }
0x155: {  	v4 =	vld [tilespmem:s7+$0x9F70]  }
0x156: {  	v9 =	vld [tilespmem:s7+$0x4F00];
	v8 =	vmax.f32 v8, $0.0e+00;
	v1 =	vadd.f32 v1, v7;
	v2 =	vadd.f32 v6, v2  }
0x157: {  	v6 =	vld [tilespmem:s7+$0x9F00];
	[tilespmem:s0+$0xEF00] =	vst v8  }
0x158: {  	v7 =	vld [tilespmem:s7+$0x4F10];
	v1 =	vmax.f32 v1, $0.0e+00;
	v2 =	vadd.f32 v2, v5  }
0x159: {  	v5 =	vld [tilespmem:s7+$0x9F10];
	v3 =	vadd.f32 v10, v3;
	[tilespmem:s0+$0xEF10] =	vst v1  }
0x15a: {  	v10 =	vld [tilespmem:s7+$0x4F20];
	v0 =	vadd.f32 v4, v0;
	v1 =	vmax.f32 v2, $0.0e+00  }
0x15b: {  	v2 =	vld [tilespmem:s7+$0x9F20];
	v3 =	vmax.f32 v3, $0.0e+00;
	[tilespmem:s0+$0xEF20] =	vst v1;
	s0 =	smov.u32 s7  }
0x15c: {  	v1 =	vadd.f32 v6, v9;
	v9 =	vld [tilespmem:s0+$0x4F40];
	v0 =	vadd.f32 v0, v3  }
0x15d: {  	v3 =	vld [tilespmem:s0+$0x9F40]  }
0x15e: {  	v8 =	vmax.f32 v1, $0.0e+00;
	v5 =	vadd.f32 v5, v7;
	v1 =	vld [tilespmem:s0+$0x4F50];
	v0 =	vmax.f32 v0, $0.0e+00  }
.Ltmp5:
0x15f: {  	v4 =	vld [tilespmem:s0+$0x9F50];
	[tilespmem:s0+$0xEF30] =	vst v0;
	(pc) =	sbr.rel @p0 .LBB2_12-.Ltmp5, $4  }
0x160: {  	v7 =	vmax.f32 v5, $0.0e+00;
	v5 =	vadd.f32 v2, v10;
	v2 =	vld [tilespmem:s0+$0x4F60]  }
0x161: {  	s7 =	sshra.s32 s8, $0x2;
	v6 =	vld [tilespmem:s0+$0x9F60]  }
0x162: {  	v0 =	vld [tilespmem:s7+$0x4F70];
	v9 =	vadd.f32 v3, v9;
	v5 =	vmax.f32 v5, $0.0e+00  }
0x163: {  	s8 =	sadd.s32 $0x200, s8;
	v3 =	vld [tilespmem:s7+$0x4F30]  }
0x164: {  	v10 =	vld [tilespmem:s7+$0x9F30];
	v8 =	vadd.f32 v9, v8;
	v1 =	vadd.f32 v4, v1  }
0x165: {  	v9 =	vld [tilespmem:s7+$0x9F70]  }
0x166: {  	v4 =	vld [tilespmem:s7+$0x4F00];
	v8 =	vmax.f32 v8, $0.0e+00;
	v1 =	vadd.f32 v1, v7;
	v2 =	vadd.f32 v6, v2  }
0x167: {  	v11 =	vld [tilespmem:s7+$0x9F00];
	[tilespmem:s0+$0xEF00] =	vst v8  }
0x168: {  	v6 =	vld [tilespmem:s7+$0x4F10];
	v1 =	vmax.f32 v1, $0.0e+00;
	v2 =	vadd.f32 v2, v5  }
0x169: {  	v7 =	vld [tilespmem:s7+$0x9F10];
	[tilespmem:s0+$0xEF10] =	vst v1  }
0x16a: {  	v3 =	vadd.f32 v10, v3;
	v1 =	vld [tilespmem:s7+$0x4F20];
	v2 =	vmax.f32 v2, $0.0e+00  }
0x16b: {  	v0 =	vadd.f32 v9, v0;
	v5 =	vld [tilespmem:s7+$0x9F20];
	[tilespmem:s0+$0xEF20] =	vst v2  }
0x16c: {  	v2 =	vmax.f32 v3, $0.0e+00;
	v3 =	vld [tilespmem:s7+$0x4F40]  }
0x16d: {  	v0 =	vadd.f32 v0, v2;
	v2 =	vld [tilespmem:s7+$0x9F40]  }
0x16e: {  	v8 =	vld [tilespmem:s7+$0x4F50]  }
0x16f: {  	v9 =	vld [tilespmem:s7+$0x9F50]  }
0x170: {  	v10 =	vld [tilespmem:s7+$0x9F60];
	v0 =	vmax.f32 v0, $0.0e+00  }
0x171: {  	[tilespmem:s7+$0xEF30] =	vst v0;
	v0 =	vld [tilespmem:s7+$0x4F60];
	_ =	sdelay $0x1  }
0x172: {  	v4 =	vadd.f32 v11, v4  }
0x173: {  	v6 =	vadd.f32 v7, v6;
	v2 =	vadd.f32 v2, v3  }
0x174: {  	v1 =	vadd.f32 v5, v1;
	v3 =	vmax.f32 v4, $0.0e+00;
	v4 =	vadd.f32 v9, v8  }
0x175: {  	v5 =	vmax.f32 v6, $0.0e+00;
	v2 =	vadd.f32 v2, v3;
	v0 =	vadd.f32 v10, v0  }
0x176: {  	v1 =	vmax.f32 v1, $0.0e+00;
	v3 =	vadd.f32 v4, v5  }
0x177: {  	v2 =	vmax.f32 v2, $0.0e+00;
	v0 =	vadd.f32 v0, v1  }
0x178: {  	[tilespmem:s7+$0xEF00] =	vst v2;
	v1 =	vmax.f32 v3, $0.0e+00  }
0x179: {  	[tilespmem:s7+$0xEF10] =	vst v1;
	v0 =	vmax.f32 v0, $0.0e+00  }
0x17a: {  	s8 =	simm.s32 $0x26C0;
	[tilespmem:s7+$0xEF20] =	vst v0  }
0x17b: {  	[tilespmem:s19], [sflag:$0x1] =	stream.indirect.gather [hbm4b:s4+s18], $0x80, s8, s18, $0xb8;
	[tilespmem:$0x13F00] =	vst v63  }
0x17c: {  	s9 =	simm.s32 $0x4E40  }
0x17d: {  	[tilespmem:s20], [sflag:$0x3] =	stream.indirect.gather [hbm4b:s5+s18], $0x80, s9, s18, $0xb8;
	[tilespmem:$0x13F00] =	vst v63  }
0x17e: {  	s17 =	simm.s32 $0x0  }
0x17f: {  	[hbm4b:s12+s17] =	stream.linear.scatter [tilespmem:s29], [sflag:$0x5], $0x2800, $0x38;
	[tilespmem:$0x13F00] =	vst v63  }
0x180: {  	_ =	swait.ge [sflag:s30], $0x2800  }
0x181: {  	[sflag:s30] =	ssyncset.done $0x0  }
0x182: {  	[sflag:s30] =	ssyncadd.s32 $0xFFFFD800  }
0x183: {  	_ =	swait.ge [sflag:s31], $0x2800  }
0x184: {  	[sflag:s31] =	ssyncset.done $0x0  }
0x185: {  	[sflag:s31] =	ssyncadd.s32 $0xFFFFD800  }
0x186: {  	_ =	swait.ge [sflag:s28], $0x2800  }
0x187: {  	[sflag:s28] =	ssyncset.done $0x0  }
0x188: {  	s0 =	simm.s32 $0x0;
	[sflag:s28] =	ssyncadd.s32 $0xFFFFD800  }
0x189: {  	v0 =	vld [tilespmem:s0+$0x7770]  }
0x18a: {  	v1 =	vld [tilespmem:s0+$0x7730]  }
0x18b: {  	v2 =	vld [tilespmem:s0+$0xC730]  }
0x18c: {  	v3 =	vld [tilespmem:s0+$0xC770]  }
0x18d: {  	v5 =	vld [tilespmem:s0+$0x7700]  }
0x18e: {  	v6 =	vld [tilespmem:s0+$0xC700]  }
0x18f: {  	v7 =	vld [tilespmem:s0+$0x7710]  }
0x190: {  	v8 =	vld [tilespmem:s0+$0xC710]  }
0x191: {  	v9 =	vld [tilespmem:s0+$0x7720];
	v1 =	vadd.f32 v2, v1  }
0x192: {  	v10 =	vld [tilespmem:s0+$0x7740];
	v0 =	vadd.f32 v3, v0  }
0x193: {  	v3 =	vld [tilespmem:s0+$0xC720];
	v1 =	vmax.f32 v1, $0.0e+00  }
0x194: {  	v11 =	vld [tilespmem:s0+$0xC740];
	v0 =	vadd.f32 v0, v1  }
0x195: {  	v4 =	vld [tilespmem:s0+$0xC750]  }
0x196: {  	v1 =	vld [tilespmem:s0+$0x7750];
	v0 =	vmax.f32 v0, $0.0e+00  }
0x197: {  	v2 =	vld [tilespmem:s0+$0x7760];
	[tilespmem:s0+$0x11730] =	vst v0;
	v0 =	vadd.f32 v6, v5  }
0x198: {  	s7 =	simm.s32 $0x80;
	v3 =	vadd.f32 v3, v9;
	v5 =	vadd.f32 v8, v7;
	v6 =	vld [tilespmem:s0+$0xC760]  }
0x199: {  	v9 =	vadd.f32 v11, v10;
	v8 =	vmax.f32 v0, $0.0e+00;
	v0 =	vld [tilespmem:s7+$0x7770]  }
0x19a: {  	s8 =	simm.s32 $0x400;
	v7 =	vmax.f32 v5, $0.0e+00;
	v5 =	vmax.f32 v3, $0.0e+00;
	v3 =	vld [tilespmem:s7+$0x7730]  }
.LBB2_14:
0x19b: {  	p0 =	sne.s32 s8, $0x9E00;
	v10 =	vld [tilespmem:s7+$0xC730];
	v8 =	vadd.f32 v9, v8;
	v1 =	vadd.f32 v4, v1  }
0x19c: {  	v4 =	vld [tilespmem:s7+$0xC770]  }
0x19d: {  	v9 =	vld [tilespmem:s7+$0x7700];
	v8 =	vmax.f32 v8, $0.0e+00;
	v1 =	vadd.f32 v1, v7;
	v2 =	vadd.f32 v6, v2  }
0x19e: {  	v6 =	vld [tilespmem:s7+$0xC700];
	[tilespmem:s0+$0x11700] =	vst v8  }
0x19f: {  	v7 =	vld [tilespmem:s7+$0x7710];
	v1 =	vmax.f32 v1, $0.0e+00;
	v2 =	vadd.f32 v2, v5  }
0x1a0: {  	v5 =	vld [tilespmem:s7+$0xC710];
	v3 =	vadd.f32 v10, v3;
	[tilespmem:s0+$0x11710] =	vst v1  }
0x1a1: {  	v10 =	vld [tilespmem:s7+$0x7720];
	v0 =	vadd.f32 v4, v0;
	v1 =	vmax.f32 v2, $0.0e+00  }
0x1a2: {  	v2 =	vld [tilespmem:s7+$0xC720];
	v3 =	vmax.f32 v3, $0.0e+00;
	[tilespmem:s0+$0x11720] =	vst v1;
	s0 =	smov.u32 s7  }
0x1a3: {  	v1 =	vadd.f32 v6, v9;
	v9 =	vld [tilespmem:s0+$0x7740];
	v0 =	vadd.f32 v0, v3  }
0x1a4: {  	v3 =	vld [tilespmem:s0+$0xC740]  }
0x1a5: {  	v8 =	vmax.f32 v1, $0.0e+00;
	v5 =	vadd.f32 v5, v7;
	v1 =	vld [tilespmem:s0+$0x7750];
	v0 =	vmax.f32 v0, $0.0e+00  }
.Ltmp6:
0x1a6: {  	v4 =	vld [tilespmem:s0+$0xC750];
	[tilespmem:s0+$0x11730] =	vst v0;
	(pc) =	sbr.rel @p0 .LBB2_14-.Ltmp6, $4  }
0x1a7: {  	v7 =	vmax.f32 v5, $0.0e+00;
	v5 =	vadd.f32 v2, v10;
	v2 =	vld [tilespmem:s0+$0x7760]  }
0x1a8: {  	s7 =	sshra.s32 s8, $0x2;
	v6 =	vld [tilespmem:s0+$0xC760]  }
0x1a9: {  	v0 =	vld [tilespmem:s7+$0x7770];
	v9 =	vadd.f32 v3, v9;
	v5 =	vmax.f32 v5, $0.0e+00  }
0x1aa: {  	s8 =	sadd.s32 $0x200, s8;
	v3 =	vld [tilespmem:s7+$0x7730]  }
0x1ab: {  	v10 =	vld [tilespmem:s7+$0xC730];
	v8 =	vadd.f32 v9, v8;
	v1 =	vadd.f32 v4, v1  }
0x1ac: {  	v9 =	vld [tilespmem:s7+$0xC770]  }
0x1ad: {  	v4 =	vld [tilespmem:s7+$0x7700];
	v8 =	vmax.f32 v8, $0.0e+00;
	v1 =	vadd.f32 v1, v7;
	v2 =	vadd.f32 v6, v2  }
0x1ae: {  	v11 =	vld [tilespmem:s7+$0xC700];
	[tilespmem:s0+$0x11700] =	vst v8  }
0x1af: {  	v6 =	vld [tilespmem:s7+$0x7710];
	v1 =	vmax.f32 v1, $0.0e+00;
	v2 =	vadd.f32 v2, v5  }
0x1b0: {  	v7 =	vld [tilespmem:s7+$0xC710];
	[tilespmem:s0+$0x11710] =	vst v1  }
0x1b1: {  	v3 =	vadd.f32 v10, v3;
	v1 =	vld [tilespmem:s7+$0x7720];
	v2 =	vmax.f32 v2, $0.0e+00  }
0x1b2: {  	v0 =	vadd.f32 v9, v0;
	v5 =	vld [tilespmem:s7+$0xC720];
	[tilespmem:s0+$0x11720] =	vst v2  }
0x1b3: {  	v2 =	vmax.f32 v3, $0.0e+00;
	v3 =	vld [tilespmem:s7+$0x7740]  }
0x1b4: {  	v0 =	vadd.f32 v0, v2;
	v2 =	vld [tilespmem:s7+$0xC740]  }
0x1b5: {  	v8 =	vld [tilespmem:s7+$0x7750]  }
0x1b6: {  	v9 =	vld [tilespmem:s7+$0xC750]  }
0x1b7: {  	v10 =	vld [tilespmem:s7+$0xC760];
	v0 =	vmax.f32 v0, $0.0e+00  }
0x1b8: {  	[tilespmem:s7+$0x11730] =	vst v0;
	v0 =	vld [tilespmem:s7+$0x7760];
	_ =	sdelay $0x1  }
0x1b9: {  	v4 =	vadd.f32 v11, v4  }
0x1ba: {  	v6 =	vadd.f32 v7, v6;
	v2 =	vadd.f32 v2, v3  }
0x1bb: {  	v1 =	vadd.f32 v5, v1;
	v3 =	vmax.f32 v4, $0.0e+00;
	v4 =	vadd.f32 v9, v8  }
0x1bc: {  	v5 =	vmax.f32 v6, $0.0e+00;
	v2 =	vadd.f32 v2, v3;
	v0 =	vadd.f32 v10, v0  }
0x1bd: {  	v1 =	vmax.f32 v1, $0.0e+00;
	v3 =	vadd.f32 v4, v5  }
0x1be: {  	v2 =	vmax.f32 v2, $0.0e+00;
	v0 =	vadd.f32 v0, v1  }
0x1bf: {  	[tilespmem:s7+$0x11700] =	vst v2;
	v1 =	vmax.f32 v3, $0.0e+00  }
0x1c0: {  	[tilespmem:s7+$0x11710] =	vst v1;
	v0 =	vmax.f32 v0, $0.0e+00  }
0x1c1: {  	s17 =	simm.s32 $0x0;
	[tilespmem:s7+$0x11720] =	vst v0  }
0x1c2: {  	[hbm4b:s13+s17] =	stream.linear.scatter [tilespmem:s24], [sflag:$0x6], $0x2800, $0x38;
	[tilespmem:$0x13F00] =	vst v63  }
0x1c3: {  	_ =	swait.ge [sflag:s21], $0x2800  }
0x1c4: {  	[sflag:s21] =	ssyncset.done $0x0  }
0x1c5: {  	[sflag:s21] =	ssyncadd.s32 $0xFFFFD800  }
0x1c6: {  	_ =	swait.ge [sflag:s22], $0x2800  }
0x1c7: {  	[sflag:s22] =	ssyncset.done $0x0  }
0x1c8: {  	[sflag:s22] =	ssyncadd.s32 $0xFFFFD800  }
0x1c9: {  	_ =	swait.ge [sflag:s26], $0x2800  }
0x1ca: {  	[sflag:s26] =	ssyncset.done $0x0  }
0x1cb: {  	s0 =	simm.s32 $0x0;
	[sflag:s26] =	ssyncadd.s32 $0xFFFFD800  }
0x1cc: {  	v0 =	vld [tilespmem:s0+$0x4F70]  }
0x1cd: {  	v1 =	vld [tilespmem:s0+$0x4F30]  }
0x1ce: {  	v2 =	vld [tilespmem:s0+$0x9F30]  }
0x1cf: {  	v3 =	vld [tilespmem:s0+$0x9F70]  }
0x1d0: {  	v5 =	vld [tilespmem:s0+$0x4F00]  }
0x1d1: {  	v6 =	vld [tilespmem:s0+$0x9F00]  }
0x1d2: {  	v7 =	vld [tilespmem:s0+$0x4F10]  }
0x1d3: {  	v8 =	vld [tilespmem:s0+$0x9F10]  }
0x1d4: {  	v9 =	vld [tilespmem:s0+$0x4F20];
	v1 =	vadd.f32 v2, v1  }
0x1d5: {  	v10 =	vld [tilespmem:s0+$0x4F40];
	v0 =	vadd.f32 v3, v0  }
0x1d6: {  	v3 =	vld [tilespmem:s0+$0x9F20];
	v1 =	vmax.f32 v1, $0.0e+00  }
0x1d7: {  	v11 =	vld [tilespmem:s0+$0x9F40];
	v0 =	vadd.f32 v0, v1  }
0x1d8: {  	v4 =	vld [tilespmem:s0+$0x9F50]  }
0x1d9: {  	v1 =	vld [tilespmem:s0+$0x4F50];
	v0 =	vmax.f32 v0, $0.0e+00  }
0x1da: {  	v2 =	vld [tilespmem:s0+$0x4F60];
	[tilespmem:s0+$0xEF30] =	vst v0;
	v0 =	vadd.f32 v6, v5  }
0x1db: {  	s7 =	simm.s32 $0x80;
	v3 =	vadd.f32 v3, v9;
	v5 =	vadd.f32 v8, v7;
	v6 =	vld [tilespmem:s0+$0x9F60]  }
0x1dc: {  	v9 =	vadd.f32 v11, v10;
	v8 =	vmax.f32 v0, $0.0e+00;
	v0 =	vld [tilespmem:s7+$0x4F70]  }
0x1dd: {  	s8 =	simm.s32 $0x400;
	v7 =	vmax.f32 v5, $0.0e+00;
	v5 =	vmax.f32 v3, $0.0e+00;
	v3 =	vld [tilespmem:s7+$0x4F30]  }
.LBB2_16:
0x1de: {  	p0 =	sne.s32 s8, $0x9E00;
	v10 =	vld [tilespmem:s7+$0x9F30];
	v8 =	vadd.f32 v9, v8;
	v1 =	vadd.f32 v4, v1  }
0x1df: {  	v4 =	vld [tilespmem:s7+$0x9F70]  }
0x1e0: {  	v9 =	vld [tilespmem:s7+$0x4F00];
	v8 =	vmax.f32 v8, $0.0e+00;
	v1 =	vadd.f32 v1, v7;
	v2 =	vadd.f32 v6, v2  }
0x1e1: {  	v6 =	vld [tilespmem:s7+$0x9F00];
	[tilespmem:s0+$0xEF00] =	vst v8  }
0x1e2: {  	v7 =	vld [tilespmem:s7+$0x4F10];
	v1 =	vmax.f32 v1, $0.0e+00;
	v2 =	vadd.f32 v2, v5  }
0x1e3: {  	v5 =	vld [tilespmem:s7+$0x9F10];
	v3 =	vadd.f32 v10, v3;
	[tilespmem:s0+$0xEF10] =	vst v1  }
0x1e4: {  	v10 =	vld [tilespmem:s7+$0x4F20];
	v0 =	vadd.f32 v4, v0;
	v1 =	vmax.f32 v2, $0.0e+00  }
0x1e5: {  	v2 =	vld [tilespmem:s7+$0x9F20];
	v3 =	vmax.f32 v3, $0.0e+00;
	[tilespmem:s0+$0xEF20] =	vst v1;
	s0 =	smov.u32 s7  }
0x1e6: {  	v1 =	vadd.f32 v6, v9;
	v9 =	vld [tilespmem:s0+$0x4F40];
	v0 =	vadd.f32 v0, v3  }
0x1e7: {  	v3 =	vld [tilespmem:s0+$0x9F40]  }
0x1e8: {  	v8 =	vmax.f32 v1, $0.0e+00;
	v5 =	vadd.f32 v5, v7;
	v1 =	vld [tilespmem:s0+$0x4F50];
	v0 =	vmax.f32 v0, $0.0e+00  }
.Ltmp7:
0x1e9: {  	v4 =	vld [tilespmem:s0+$0x9F50];
	[tilespmem:s0+$0xEF30] =	vst v0;
	(pc) =	sbr.rel @p0 .LBB2_16-.Ltmp7, $4  }
0x1ea: {  	v7 =	vmax.f32 v5, $0.0e+00;
	v5 =	vadd.f32 v2, v10;
	v2 =	vld [tilespmem:s0+$0x4F60]  }
0x1eb: {  	s7 =	sshra.s32 s8, $0x2;
	v6 =	vld [tilespmem:s0+$0x9F60]  }
0x1ec: {  	v0 =	vld [tilespmem:s7+$0x4F70];
	v9 =	vadd.f32 v3, v9;
	v5 =	vmax.f32 v5, $0.0e+00  }
0x1ed: {  	s8 =	sadd.s32 $0x200, s8;
	v3 =	vld [tilespmem:s7+$0x4F30]  }
0x1ee: {  	v10 =	vld [tilespmem:s7+$0x9F30];
	v8 =	vadd.f32 v9, v8;
	v1 =	vadd.f32 v4, v1  }
0x1ef: {  	v48 =	vld [tilespmem:s7+$0x9F70]  }
0x1f0: {  	v49 =	vld [tilespmem:s7+$0x4F00];
	v8 =	vmax.f32 v8, $0.0e+00;
	v1 =	vadd.f32 v1, v7;
	v2 =	vadd.f32 v6, v2  }
0x1f1: {  	v11 =	vld [tilespmem:s7+$0x9F00];
	[tilespmem:s0+$0xEF00] =	vst v8  }
0x1f2: {  	v50 =	vld [tilespmem:s7+$0x4F10];
	v1 =	vmax.f32 v1, $0.0e+00;
	v2 =	vadd.f32 v2, v5  }
0x1f3: {  	v51 =	vld [tilespmem:s7+$0x9F10];
	[tilespmem:s0+$0xEF10] =	vst v1  }
0x1f4: {  	v1 =	vld [tilespmem:s7+$0x4F20];
	v2 =	vmax.f32 v2, $0.0e+00  }
0x1f5: {  	v52 =	vld [tilespmem:s7+$0x9F20];
	[tilespmem:s0+$0xEF20] =	vst v2  }
0x1f6: {  	v54 =	vld [tilespmem:s7+$0x4F40]  }
0x1f7: {  	v55 =	vld [tilespmem:s7+$0x9F40]  }
0x1f8: {  	v8 =	vld [tilespmem:s7+$0x4F50]  }
0x1f9: {  	v56 =	vld [tilespmem:s7+$0x9F50]  }
0x1fa: {  	v3 =	vadd.f32 v10, v3;
	v57 =	vld [tilespmem:s7+$0x4F60]  }
0x1fb: {  	v0 =	vadd.f32 v48, v0;
	v58 =	vld [tilespmem:s7+$0x9F60]  }
0x1fc: {  	v4 =	vadd.f32 v11, v49;
	v53 =	vmax.f32 v3, $0.0e+00  }
0x1fd: {  	v0 =	vadd.f32 v0, v53  }
0x1fe: {  	v59 =	vmax.f32 v4, $0.0e+00;
	v6 =	vadd.f32 v51, v50;
	v2 =	vadd.f32 v55, v54  }
0x1ff: {  	v0 =	vmax.f32 v0, $0.0e+00;
	v1 =	vadd.f32 v52, v1;
	v60 =	vadd.f32 v56, v8  }
0x200: {  	[tilespmem:s7+$0xEF30] =	vst v0;
	v61 =	vmax.f32 v6, $0.0e+00;
	v0 =	vadd.f32 v58, v57;
	v2 =	vadd.f32 v2, v59  }
0x201: {  	v1 =	vmax.f32 v1, $0.0e+00;
	v62 =	vadd.f32 v60, v61  }
0x202: {  	v0 =	vadd.f32 v0, v1;
	v2 =	vmax.f32 v2, $0.0e+00  }
0x203: {  	v63 =	vmax.f32 v62, $0.0e+00;
	[tilespmem:s7+$0xEF00] =	vst v2  }
0x204: {  	v0 =	vmax.f32 v0, $0.0e+00;
	[tilespmem:s7+$0xEF10] =	vst v63  }
0x205: {  	s1 =	sadd.s32 $0x1, s1;
	[tilespmem:s7+$0xEF20] =	vst v0  }
0x206: {  	[hbm4b:s14+s2] =	stream.linear.scatter [tilespmem:s29], [sflag:$0x5], $0x2800, $0x38;
	[tilespmem:$0x13F00] =	vst v63  }
0x207: {  	p0 =	sne.s32 s1, s15;
	_ =	swait.ge [sflag:s28], $0x2800  }
.Ltmp8:
0x208: {  	[sflag:s28] =	ssyncset.done $0x0;
	(pc) =	sbr.rel @p0 .LBB2_1-.Ltmp8, $4  }
0x209: {  	[sflag:s28] =	ssyncadd.s32 $0xFFFFD800  }
0x20a: {  	_ =	swait.ge [sflag:s26], $0x2800  }
0x20b: {  	[sflag:s26] =	ssyncset.done $0x0  }
0x20c: {  	[sflag:s26] =	ssyncadd.s32 $0xFFFFD800  }
0x20d: {  	_ =	sfence.sel $0x180000  }
0x20e: {  	[bflag:$0x0] =	sbarrier.arrive $0xFFFF  }
0x20f: {  	_ =	strace $0x90000047  }
0x210: {  	s0 =	stileid.u32;
	[bflag:$0x2] =	sbarrier.arrive $0xFFFF  }
0x211: {  	p0 =	sne.s32 s0, $0x0;
	s0 =	rddreg [dreg:$0x1]  }
0x212: {  	s0 =	sadd.s32 @!p0 $0x100000, s0  }
0x213: {  	[sflag:s0] =	ssyncadd.tile.s32 @!p0 $0x1;
	_ =	shalt  }
.Lfunc_end2:
_tile_overlayer_lowered:
.L_overlay_start_2:
0x214: {  	(tag) =	ssettag $0x2  }
0x215: {  	s0 =	rddreg [dreg:$0x0];
	s2 =	stileid.u32  }
0x216: {  	s1 =	rddreg [dreg:$0x1];
	p0 =	sne.s32 s2, $0x0  }
0x217: {  	s3 =	rddreg [dreg:$0x2];
	[bflag:$0x3] =	sbarrier.arrive $0xFFFF;
	s2 =	simm.s32 @!p0 $0x1C07  }
0x218: {  	[timem:s3], [sflag:s2] =	dma.local @!p0 [hbm:s0], s1  }
0x219: {  	s0 =	simm.s32 @!p0 $0x7  }
0x21a: {  	_ =	swait.ge @!p0 [sflag:s0], s1  }
0x21b: {  	s1 =	ssub.s32 @!p0 $0x0, s1;
	[sflag:s0] =	ssyncset.done @!p0 $0x0  }
0x21c: {  	[sflag:s0] =	ssyncadd.s32 @!p0 s1  }
0x21d: {  	[bflag:$0x3] =	sbarrier.arrive $0xFFFF  }
0x21e: {  	_ =	shalt  }

</sc_bundles>
